<compile_context>
chip_gen: v7x
topology: tpu7x:2x2x1
jax: 0.10.2.dev20260603
libtpu: 0.0.44.dev20260713+nightly
codegen_flags: <defaults>
</compile_context>

<pallas_src>
import functools

import jax
import jax.numpy as jnp
from jax import lax
from jax.experimental import pallas as pl
from jax.experimental.pallas import tpu as pltpu
from jax.experimental.pallas import tpu_sc as plsc


def _sc_accumulate(x, pos16, ei, npad, n0, chunk):
  n_cores = 2
  n_sub = 16
  d_feat = x.shape[1]
  rows_per_tile = npad // n_sub
  strips = rows_per_tile // chunk

  mesh = plsc.VectorSubcoreMesh(core_axis_name="c", subcore_axis_name="s")

  @functools.partial(
      pl.kernel,
      mesh=mesh,
      compiler_params=pltpu.CompilerParams(use_tc_tiling_on_sc=False),
      out_type=(
          jax.ShapeDtypeStruct((n_cores, npad, d_feat), jnp.float32),
          jax.ShapeDtypeStruct((n_cores, npad, 16), jnp.float32),
          jax.ShapeDtypeStruct((n_cores, npad, 16), jnp.float32),
      ),
      scratch_types=[
          pltpu.VMEM((2, chunk), jnp.int32),
          pltpu.VMEM((2, chunk), jnp.int32),
          pltpu.VMEM((2, chunk, d_feat), jnp.float32),
          pltpu.VMEM((2, chunk, 16), jnp.float32),
          pltpu.VMEM((chunk, 16), jnp.float32),
          pltpu.SemaphoreType.DMA,
          pltpu.SemaphoreType.DMA,
          pltpu.SemaphoreType.DMA,
          pltpu.SemaphoreType.DMA,
          pltpu.VMEM_SHARED((npad, d_feat), jnp.float32),
          pltpu.VMEM_SHARED((npad, 16), jnp.float32),
          pltpu.VMEM_SHARED((npad, 16), jnp.float32),
      ],
  )
  def sc_kernel(x_hbm, p_hbm, ei_hbm, agg_out, ns_out, dg_out,
                sidx, didx, xrows, prows, ones16, gsem0, gsem1, isem0, isem1,
                agg_sh, ns_sh, dg_sh):
    c = lax.axis_index("c")
    s = lax.axis_index("s")
    gsems = (gsem0, gsem1)
    isems = (isem0, isem1)

    onehot3 = jnp.where(lax.iota(jnp.int32, 16) == 3, 1.0, 0.0)

    @pl.loop(0, chunk)
    def _(i):
      for j in range(d_feat // 16):
        xrows[0, i, pl.ds(j * 16, 16)] = jnp.zeros((16,), jnp.float32)
      prows[0, i, :] = jnp.zeros((16,), jnp.float32)
      ones16[i, :] = onehot3

    @pl.loop(0, strips)
    def _(k):
      base = s * rows_per_tile + k * chunk
      pltpu.sync_copy(xrows.at[0], agg_sh.at[pl.ds(base, chunk)])
      pltpu.sync_copy(prows.at[0], ns_sh.at[pl.ds(base, chunk)])
      pltpu.sync_copy(prows.at[0], dg_sh.at[pl.ds(base, chunk)])

    tail = rows_per_tile - strips * chunk
    if tail:
      base = s * rows_per_tile + strips * chunk
      pltpu.sync_copy(xrows.at[0, pl.ds(0, tail)],
                      agg_sh.at[pl.ds(base, tail)])
      pltpu.sync_copy(prows.at[0, pl.ds(0, tail)],
                      ns_sh.at[pl.ds(base, tail)])
      pltpu.sync_copy(prows.at[0, pl.ds(0, tail)],
                      dg_sh.at[pl.ds(base, tail)])

    plsc.subcore_barrier()

    def issue(pairs):
      for args in pairs:
        pltpu.async_copy(*args)

    def wait(pairs):
      for args in pairs:
        pltpu.make_async_copy(*args).wait()

    n_it = n0
    row0 = (c * n_sub + s) * n_it

    def idx_pair(i, b):
      r = (row0 + i) * chunk
      return (
          (ei_hbm.at[0, pl.ds(r, chunk)], sidx.at[b], isems[b]),
          (ei_hbm.at[1, pl.ds(r, chunk)], didx.at[b], isems[b]),
      )

    def gather_pair(b):
      return (
          (x_hbm.at[sidx.at[b]], xrows.at[b], gsems[b]),
          (p_hbm.at[didx.at[b]], prows.at[b], gsems[b]),
      )

    def do_scatters(b):
      pltpu.sync_copy(xrows.at[b], agg_sh.at[didx.at[b]], add=True)
      pltpu.sync_copy(prows.at[b], ns_sh.at[sidx.at[b]], add=True)
      pltpu.sync_copy(ones16, dg_sh.at[didx.at[b]], add=True)

    issue(idx_pair(0, 0))
    wait(idx_pair(0, 0))
    issue(idx_pair(1, 1))
    issue(gather_pair(0))

    n_even = n_it - (n_it % 2)

    @pl.loop(0, n_even, step=2)
    def _(i0):
      for b in range(2):
        i = i0 + b
        wait(gather_pair(b))

        @pl.when(i + 1 < n_it)
        def _():
          wait(idx_pair(i + 1, 1 - b))
          issue(gather_pair(1 - b))

        do_scatters(b)

        @pl.when(i + 2 < n_it)
        def _():
          issue(idx_pair(i + 2, b))

    if n_it % 2:
      wait(gather_pair((n_it - 1) % 2))
      do_scatters((n_it - 1) % 2)

    plsc.subcore_barrier()

    base = s * rows_per_tile
    pltpu.sync_copy(agg_sh.at[pl.ds(base, rows_per_tile)],
                    agg_out.at[c, pl.ds(base, rows_per_tile)])
    pltpu.sync_copy(ns_sh.at[pl.ds(base, rows_per_tile)],
                    ns_out.at[c, pl.ds(base, rows_per_tile)])
    pltpu.sync_copy(dg_sh.at[pl.ds(base, rows_per_tile)],
                    dg_out.at[c, pl.ds(base, rows_per_tile)])

  return sc_kernel(x, pos16, ei)


def _tc_body(x_ref, p_ref, agg_ref, ns_ref, dg_ref, w_ref, b_ref, o_ref):
  agg2 = agg_ref[...].astype(jnp.float32)
  agg = agg2[0] + agg2[1]
  dg2 = dg_ref[...]
  deg = jnp.maximum(dg2[0, :, 3:4] + dg2[1, :, 3:4], 1.0)
  ns2 = ns_ref[...]
  ns = ns2[0] + ns2[1]
  cnt = jnp.maximum(ns[:, 3:4], 1.0)
  d = p_ref[...] - ns / cnt
  col = lax.broadcasted_iota(jnp.int32, d.shape, 1)
  d = jnp.where(col < 3, d, 0.0)
  curv = jnp.sqrt(jnp.sum(d * d, axis=1, keepdims=True))
  h = (x_ref[...] + agg / deg) * (1.0 + curv)
  o_ref[...] = (
      jnp.dot(h, w_ref[...], preferred_element_type=jnp.float32) + b_ref[...]
  )


def kernel(x, positions, edge_index, W, b):
  N, D = x.shape
  E = edge_index.shape[1]
  chunk = 80
  n_sub = 16
  rows_total = -(-E // chunk)
  n0 = max(2, -(-rows_total // 32))
  epad = 2 * n_sub * n0 * chunk
  npad = ((N + 64) // 64) * 64
  dummy = N

  ei = jnp.asarray(edge_index, jnp.int32)
  pad = epad - E
  if pad:
    pad_block = jnp.concatenate(
        [jnp.zeros((1, pad), jnp.int32), jnp.full((1, pad), dummy, jnp.int32)])
    ei = jnp.concatenate([ei, pad_block], axis=1)

  pos16 = jnp.concatenate(
      [positions, jnp.ones((N, 1), jnp.float32),
       jnp.zeros((N, 12), jnp.float32)], axis=1)
  pos16 = jnp.concatenate(
      [pos16, jnp.zeros((npad - N, 16), jnp.float32)])

  agg_out, ns_out, dg_out = _sc_accumulate(x, pos16, ei, npad, n0, chunk)

  blk = 1000
  grid = (N // blk,)
  out = pl.pallas_call(
      _tc_body,
      grid=grid,
      in_specs=[
          pl.BlockSpec((blk, D), lambda i: (i, 0)),
          pl.BlockSpec((blk, 16), lambda i: (i, 0)),
          pl.BlockSpec((2, blk, D), lambda i: (0, i, 0)),
          pl.BlockSpec((2, blk, 16), lambda i: (0, i, 0)),
          pl.BlockSpec((2, blk, 16), lambda i: (0, i, 0)),
          pl.BlockSpec((D, D), lambda i: (0, 0)),
          pl.BlockSpec((1, D), lambda i: (0, 0)),
      ],
      out_specs=pl.BlockSpec((blk, D), lambda i: (i, 0)),
      out_shape=jax.ShapeDtypeStruct((N, D), jnp.float32),
  )(x, pos16, agg_out, ns_out, dg_out, W, b.reshape(1, D))
  return out

# --- scband reference (transcript-rebuilt; emitter-appended) ---
"""Pipeline reference for scband-mathematically-correct-gasm-66065186947099 (READ-ONLY COPY).

The authoritative reference and input builder live on the scoring server;
editing this copy changes nothing except your own understanding.
"""

import jax, jax.numpy as jnp
import numpy as np

N_NODES = 10000
N_EDGES = 320000
D_FEAT = 128

def setup_inputs(seed: int = 0) -> dict:
    key = jax.random.key(seed)
    k1, k2, k3, k4, k5 = jax.random.split(key, 5)
    x = jax.random.normal(k1, (N_NODES, D_FEAT), dtype=jnp.float32)
    positions = jax.random.normal(k2, (N_NODES, 3), dtype=jnp.float32)
    edge_index = jax.random.randint(k3, (2, N_EDGES), 0, N_NODES)
    W = jax.random.normal(k4, (D_FEAT, D_FEAT), dtype=jnp.float32) * (1.0 / np.sqrt(D_FEAT))
    b = jax.random.normal(k5, (D_FEAT,), dtype=jnp.float32) * 0.01
    return {"x": x, "positions": positions, "edge_index": edge_index, "W": W, "b": b}

def reference(x, positions, edge_index, W, b):
    N = x.shape[0]
    edge_index = jnp.clip(edge_index, 0, N - 1)
    src = edge_index[0]
    dst = edge_index[1]
    # --- mean curvature (EfficientCurvatureComputation._mean_curvature) ---
    # neighbor_means.index_add_(0, src, positions[dst]); counts.index_add_(0, src, 1)
    neighbor_sum = jnp.zeros_like(positions).at[src].add(positions[dst])
    neighbor_counts = jnp.zeros((N,), dtype=positions.dtype).at[src].add(1.0)
    neighbor_counts = jnp.clip(neighbor_counts, 1.0)
    neighbor_means = neighbor_sum / neighbor_counts[:, None]
    curvature_vec = positions - neighbor_means
    curvature = jnp.linalg.norm(curvature_vec, axis=1)
    # --- message passing: gather features at src, scatter-add to dst, degree-normalize ---
    agg = jnp.zeros_like(x).at[dst].add(x[src])
    deg = jnp.zeros((N,), dtype=x.dtype).at[dst].add(1.0)
    deg = jnp.clip(deg, 1.0)
    agg = agg / deg[:, None]
    # --- curvature-modulated update ---
    h = (x + agg) * (1.0 + curvature)[:, None]
    out = h @ W + b
    return out

if __name__ == "__main__":
    import jax
    _d = setup_inputs()
    print(jax.jit(kernel)(*tuple(_d.values())))

</pallas_src>

<mosaic_0001>
#map = affine_map<(d0, d1) -> (0, 0)>
#map1 = affine_map<(d0, d1) -> (0, 0, 0)>
module attributes {stable_mosaic.version = 14 : i64} {
  func.func @sc_kernel(%arg0: i32, %arg1: i32, %arg2: memref<10000x128xf32, #tpu.memory_space<hbm>>, %arg3: memref<10048x16xf32, #tpu.memory_space<hbm>>, %arg4: memref<2x320000xi32, #tpu.memory_space<hbm>>, %arg5: memref<2x10048x128xf32, #tpu.memory_space<hbm>>, %arg6: memref<2x10048x16xf32, #tpu.memory_space<hbm>>, %arg7: memref<2x10048x16xf32, #tpu.memory_space<hbm>>, %arg8: memref<2x80xi32, #tpu.memory_space<vmem>>, %arg9: memref<2x80xi32, #tpu.memory_space<vmem>>, %arg10: memref<2x80x128xf32, #tpu.memory_space<vmem>>, %arg11: memref<2x80x16xf32, #tpu.memory_space<vmem>>, %arg12: memref<80x16xf32, #tpu.memory_space<vmem>>, %arg13: memref<!tpu.dma_semaphore, #tpu.memory_space<semaphore_mem>>, %arg14: memref<!tpu.dma_semaphore, #tpu.memory_space<semaphore_mem>>, %arg15: memref<!tpu.dma_semaphore, #tpu.memory_space<semaphore_mem>>, %arg16: memref<!tpu.dma_semaphore, #tpu.memory_space<semaphore_mem>>, %arg17: memref<10048x128xf32, #tpu.memory_space<vmem_shared>>, %arg18: memref<10048x16xf32, #tpu.memory_space<vmem_shared>>, %arg19: memref<10048x16xf32, #tpu.memory_space<vmem_shared>>) attributes {dimension_semantics = [#tpu.dimension_semantics<core_parallel>, #tpu.dimension_semantics<subcore_parallel>], iteration_bounds = array<i64: 2, 16>, scalar_prefetch = 0 : i64, scratch_operands = 12 : i64, tpu.core_type = #tpu.core_type<sc_vector_subcore>, window_params = [{transform_indices = #map}, {transform_indices = #map}, {transform_indices = #map}, {transform_indices = #map1}, {transform_indices = #map1}, {transform_indices = #map1}]} {
    %iota3A = tpu.iota {dimensions = array<i32: 0>} : vector<16xi32>
    %eq3A = arith.constant 3 : i32
    %eq3A_0 = vector.broadcast %eq3A : i32 to vector<16xi32>
    %eq3A_1 = arith.cmpi eq, %iota3A, %eq3A_0 : vector<16xi32>
    %jit3A = arith.constant 1.000000e+00 : f32
    %jit3A_2 = arith.constant 0.000000e+00 : f32
    %broadcast_in_dim3A = vector.broadcast %jit3A : f32 to vector<16xf32>
    %broadcast_in_dim3A_3 = vector.broadcast %jit3A_2 : f32 to vector<16xf32>
    %select_n3A = arith.select %eq3A_1, %broadcast_in_dim3A, %broadcast_in_dim3A_3 : vector<16xi1>, vector<16xf32>
    %scan3A = arith.constant 0 : i32
    %scan3A_4 = arith.constant 80 : i32
    %scan3A_5 = arith.addi %scan3A, %scan3A_4 : i32
    %scan3A_6 = arith.constant 1 : i32
    scf.for %scan3A_165 = %scan3A to %scan3A_5 step %scan3A_6  : i32 {
      %mul3A_166 = arith.constant 1 : i32
      %mul3A_167 = arith.muli %scan3A_165, %mul3A_166 : i32
      %add3A_168 = arith.constant 0 : i32
      %add3A_169 = arith.addi %add3A_168, %mul3A_167 : i32
      %broadcast_in_dim3A_170 = arith.constant 0.000000e+00 : f32
      %broadcast_in_dim3A_171 = vector.broadcast %broadcast_in_dim3A_170 : f32 to vector<16xf32>
      %swap3A = arith.constant 0 : i32
      %swap3A_172 = arith.index_cast %swap3A : i32 to index
      %swap3A_173 = arith.index_cast %add3A_169 : i32 to index
      %swap3A_174 = arith.constant 0 : index
      %swap3A_175 = tpu.vector_load %arg10[%swap3A_172, %swap3A_173, %swap3A_174] {strides = array<i32>} : memref<2x80x128xf32, #tpu.memory_space<vmem>>, vector<1x1x16xf32>,
      %swap3A_176 = vector.shape_cast %swap3A_175 : vector<1x1x16xf32> to vector<16xf32>
      %swap3A_177 = vector.shape_cast %broadcast_in_dim3A_171 : vector<16xf32> to vector<1x1x16xf32>
      tpu.vector_store %arg10[%swap3A_172, %swap3A_173, %swap3A_174], %swap3A_177 {strides = array<i32>} : memref<2x80x128xf32, #tpu.memory_space<vmem>>, vector<1x1x16xf32>,
      %broadcast_in_dim3A_178 = arith.constant 0.000000e+00 : f32
      %broadcast_in_dim3A_179 = vector.broadcast %broadcast_in_dim3A_178 : f32 to vector<16xf32>
      %swap3A_180 = arith.constant 0 : i32
      %swap3A_181 = arith.index_cast %swap3A_180 : i32 to index
      %swap3A_182 = arith.index_cast %add3A_169 : i32 to index
      %swap3A_183 = arith.constant 16 : index
      %swap3A_184 = tpu.vector_load %arg10[%swap3A_181, %swap3A_182, %swap3A_183] {strides = array<i32>} : memref<2x80x128xf32, #tpu.memory_space<vmem>>, vector<1x1x16xf32>,
      %swap3A_185 = vector.shape_cast %swap3A_184 : vector<1x1x16xf32> to vector<16xf32>
      %swap3A_186 = vector.shape_cast %broadcast_in_dim3A_179 : vector<16xf32> to vector<1x1x16xf32>
      tpu.vector_store %arg10[%swap3A_181, %swap3A_182, %swap3A_183], %swap3A_186 {strides = array<i32>} : memref<2x80x128xf32, #tpu.memory_space<vmem>>, vector<1x1x16xf32>,
      %broadcast_in_dim3A_187 = arith.constant 0.000000e+00 : f32
      %broadcast_in_dim3A_188 = vector.broadcast %broadcast_in_dim3A_187 : f32 to vector<16xf32>
      %swap3A_189 = arith.constant 0 : i32
      %swap3A_190 = arith.index_cast %swap3A_189 : i32 to index
      %swap3A_191 = arith.index_cast %add3A_169 : i32 to index
      %swap3A_192 = arith.constant 32 : index
      %swap3A_193 = tpu.vector_load %arg10[%swap3A_190, %swap3A_191, %swap3A_192] {strides = array<i32>} : memref<2x80x128xf32, #tpu.memory_space<vmem>>, vector<1x1x16xf32>,
      %swap3A_194 = vector.shape_cast %swap3A_193 : vector<1x1x16xf32> to vector<16xf32>
      %swap3A_195 = vector.shape_cast %broadcast_in_dim3A_188 : vector<16xf32> to vector<1x1x16xf32>
      tpu.vector_store %arg10[%swap3A_190, %swap3A_191, %swap3A_192], %swap3A_195 {strides = array<i32>} : memref<2x80x128xf32, #tpu.memory_space<vmem>>, vector<1x1x16xf32>,
      %broadcast_in_dim3A_196 = arith.constant 0.000000e+00 : f32
      %broadcast_in_dim3A_197 = vector.broadcast %broadcast_in_dim3A_196 : f32 to vector<16xf32>
      %swap3A_198 = arith.constant 0 : i32
      %swap3A_199 = arith.index_cast %swap3A_198 : i32 to index
      %swap3A_200 = arith.index_cast %add3A_169 : i32 to index
      %swap3A_201 = arith.constant 48 : index
      %swap3A_202 = tpu.vector_load %arg10[%swap3A_199, %swap3A_200, %swap3A_201] {strides = array<i32>} : memref<2x80x128xf32, #tpu.memory_space<vmem>>, vector<1x1x16xf32>,
      %swap3A_203 = vector.shape_cast %swap3A_202 : vector<1x1x16xf32> to vector<16xf32>
      %swap3A_204 = vector.shape_cast %broadcast_in_dim3A_197 : vector<16xf32> to vector<1x1x16xf32>
      tpu.vector_store %arg10[%swap3A_199, %swap3A_200, %swap3A_201], %swap3A_204 {strides = array<i32>} : memref<2x80x128xf32, #tpu.memory_space<vmem>>, vector<1x1x16xf32>,
      %broadcast_in_dim3A_205 = arith.constant 0.000000e+00 : f32
      %broadcast_in_dim3A_206 = vector.broadcast %broadcast_in_dim3A_205 : f32 to vector<16xf32>
      %swap3A_207 = arith.constant 0 : i32
      %swap3A_208 = arith.index_cast %swap3A_207 : i32 to index
      %swap3A_209 = arith.index_cast %add3A_169 : i32 to index
      %swap3A_210 = arith.constant 64 : index
      %swap3A_211 = tpu.vector_load %arg10[%swap3A_208, %swap3A_209, %swap3A_210] {strides = array<i32>} : memref<2x80x128xf32, #tpu.memory_space<vmem>>, vector<1x1x16xf32>,
      %swap3A_212 = vector.shape_cast %swap3A_211 : vector<1x1x16xf32> to vector<16xf32>
      %swap3A_213 = vector.shape_cast %broadcast_in_dim3A_206 : vector<16xf32> to vector<1x1x16xf32>
      tpu.vector_store %arg10[%swap3A_208, %swap3A_209, %swap3A_210], %swap3A_213 {strides = array<i32>} : memref<2x80x128xf32, #tpu.memory_space<vmem>>, vector<1x1x16xf32>,
      %broadcast_in_dim3A_214 = arith.constant 0.000000e+00 : f32
      %broadcast_in_dim3A_215 = vector.broadcast %broadcast_in_dim3A_214 : f32 to vector<16xf32>
      %swap3A_216 = arith.constant 0 : i32
      %swap3A_217 = arith.index_cast %swap3A_216 : i32 to index
      %swap3A_218 = arith.index_cast %add3A_169 : i32 to index
      %swap3A_219 = arith.constant 80 : index
      %swap3A_220 = tpu.vector_load %arg10[%swap3A_217, %swap3A_218, %swap3A_219] {strides = array<i32>} : memref<2x80x128xf32, #tpu.memory_space<vmem>>, vector<1x1x16xf32>,
      %swap3A_221 = vector.shape_cast %swap3A_220 : vector<1x1x16xf32> to vector<16xf32>
      %swap3A_222 = vector.shape_cast %broadcast_in_dim3A_215 : vector<16xf32> to vector<1x1x16xf32>
      tpu.vector_store %arg10[%swap3A_217, %swap3A_218, %swap3A_219], %swap3A_222 {strides = array<i32>} : memref<2x80x128xf32, #tpu.memory_space<vmem>>, vector<1x1x16xf32>,
      %broadcast_in_dim3A_223 = arith.constant 0.000000e+00 : f32
      %broadcast_in_dim3A_224 = vector.broadcast %broadcast_in_dim3A_223 : f32 to vector<16xf32>
      %swap3A_225 = arith.constant 0 : i32
      %swap3A_226 = arith.index_cast %swap3A_225 : i32 to index
      %swap3A_227 = arith.index_cast %add3A_169 : i32 to index
      %swap3A_228 = arith.constant 96 : index
      %swap3A_229 = tpu.vector_load %arg10[%swap3A_226, %swap3A_227, %swap3A_228] {strides = array<i32>} : memref<2x80x128xf32, #tpu.memory_space<vmem>>, vector<1x1x16xf32>,
      %swap3A_230 = vector.shape_cast %swap3A_229 : vector<1x1x16xf32> to vector<16xf32>
      %swap3A_231 = vector.shape_cast %broadcast_in_dim3A_224 : vector<16xf32> to vector<1x1x16xf32>
      tpu.vector_store %arg10[%swap3A_226, %swap3A_227, %swap3A_228], %swap3A_231 {strides = array<i32>} : memref<2x80x128xf32, #tpu.memory_space<vmem>>, vector<1x1x16xf32>,
      %broadcast_in_dim3A_232 = arith.constant 0.000000e+00 : f32
      %broadcast_in_dim3A_233 = vector.broadcast %broadcast_in_dim3A_232 : f32 to vector<16xf32>
      %swap3A_234 = arith.constant 0 : i32
      %swap3A_235 = arith.index_cast %swap3A_234 : i32 to index
      %swap3A_236 = arith.index_cast %add3A_169 : i32 to index
      %swap3A_237 = arith.constant 112 : index
      %swap3A_238 = tpu.vector_load %arg10[%swap3A_235, %swap3A_236, %swap3A_237] {strides = array<i32>} : memref<2x80x128xf32, #tpu.memory_space<vmem>>, vector<1x1x16xf32>,
      %swap3A_239 = vector.shape_cast %swap3A_238 : vector<1x1x16xf32> to vector<16xf32>
      %swap3A_240 = vector.shape_cast %broadcast_in_dim3A_233 : vector<16xf32> to vector<1x1x16xf32>
      tpu.vector_store %arg10[%swap3A_235, %swap3A_236, %swap3A_237], %swap3A_240 {strides = array<i32>} : memref<2x80x128xf32, #tpu.memory_space<vmem>>, vector<1x1x16xf32>,
      %broadcast_in_dim3A_241 = arith.constant 0.000000e+00 : f32
      %broadcast_in_dim3A_242 = vector.broadcast %broadcast_in_dim3A_241 : f32 to vector<16xf32>
      %swap3A_243 = arith.constant 0 : i32
      %swap3A_244 = arith.index_cast %swap3A_243 : i32 to index
      %swap3A_245 = arith.index_cast %add3A_169 : i32 to index
      %swap3A_246 = arith.constant 0 : index
      %swap3A_247 = tpu.vector_load %arg11[%swap3A_244, %swap3A_245, %swap3A_246] {strides = array<i32>} : memref<2x80x16xf32, #tpu.memory_space<vmem>>, vector<1x1x16xf32>,
      %swap3A_248 = vector.shape_cast %swap3A_247 : vector<1x1x16xf32> to vector<16xf32>
      %swap3A_249 = vector.shape_cast %broadcast_in_dim3A_242 : vector<16xf32> to vector<1x1x16xf32>
      tpu.vector_store %arg11[%swap3A_244, %swap3A_245, %swap3A_246], %swap3A_249 {strides = array<i32>} : memref<2x80x16xf32, #tpu.memory_space<vmem>>, vector<1x1x16xf32>,
      %swap3A_250 = arith.index_cast %add3A_169 : i32 to index
      %swap3A_251 = arith.constant 0 : index
      %swap3A_252 = tpu.vector_load %arg12[%swap3A_250, %swap3A_251] {strides = array<i32>} : memref<80x16xf32, #tpu.memory_space<vmem>>, vector<1x16xf32>,
      %swap3A_253 = vector.shape_cast %swap3A_252 : vector<1x16xf32> to vector<16xf32>
      %swap3A_254 = vector.shape_cast %select_n3A : vector<16xf32> to vector<1x16xf32>
      tpu.vector_store %arg12[%swap3A_250, %swap3A_251], %swap3A_254 {strides = array<i32>} : memref<80x16xf32, #tpu.memory_space<vmem>>, vector<1x16xf32>,
    }
    %scan3A_7 = arith.constant 80 : i32
    %scan3A_8 = arith.constant 0 : i32
    %scan3A_9 = arith.constant 7 : i32
    %scan3A_10 = arith.addi %scan3A_8, %scan3A_9 : i32
    %scan3A_11 = arith.constant 1 : i32
    scf.for %scan3A_165 = %scan3A_8 to %scan3A_10 step %scan3A_11  : i32 {
      %mul3A_166 = arith.constant 1 : i32
      %mul3A_167 = arith.muli %scan3A_165, %mul3A_166 : i32
      %add3A_168 = arith.constant 0 : i32
      %add3A_169 = arith.addi %add3A_168, %mul3A_167 : i32
      %mul3A_170 = arith.constant 628 : i32
      %mul3A_171 = arith.muli %arg1, %mul3A_170 : i32
      %mul3A_172 = arith.constant 80 : i32
      %mul3A_173 = arith.muli %add3A_169, %mul3A_172 : i32
      %add3A_174 = arith.addi %mul3A_171, %mul3A_173 : i32
      %run_scoped3A_175 = arith.constant 0 : i32
      "tpu.region"() ({
        %run_scoped3A_178 = tpu.sem_alloc : memref<!tpu.dma_semaphore, #tpu.memory_space<semaphore_mem>>
        %dma_start3A_179 = arith.constant 0 : i32
        %dma_start3A_180 = arith.constant 0 : i32
        %dma_start3A_181 = tpu.memref_slice %arg10[%run_scoped3A_175, %dma_start3A_179, %dma_start3A_180] : memref<2x80x128xf32, #tpu.memory_space<vmem>> -> memref<1x80x128xf32, #tpu.memory_space<vmem>>
        %dma_start3A_182 = tpu.memref_squeeze %dma_start3A_181 : memref<1x80x128xf32, #tpu.memory_space<vmem>> -> memref<80x128xf32, #tpu.memory_space<vmem>>
        %dma_start3A_183 = arith.constant 0 : i32
        %dma_start3A_184 = tpu.memref_slice %arg17[%add3A_174, %dma_start3A_183] : memref<10048x128xf32, #tpu.memory_space<vmem_shared>> -> memref<80x128xf32, #tpu.memory_space<vmem_shared>>
        %dma_start3A_185 = arith.constant 0 : i32
        %dma_start3A_186 = tpu.memref_slice %arg17[%add3A_174, %dma_start3A_185] : memref<10048x128xf32, #tpu.memory_space<vmem_shared>> -> memref<80x128xf32, #tpu.memory_space<vmem_shared>>
        %dma_start3A_187 = arith.constant 0 : i32
        %dma_start3A_188 = arith.constant 0 : i32
        %dma_start3A_189 = tpu.memref_slice %arg10[%run_scoped3A_175, %dma_start3A_187, %dma_start3A_188] : memref<2x80x128xf32, #tpu.memory_space<vmem>> -> memref<1x80x128xf32, #tpu.memory_space<vmem>>
        %dma_start3A_190 = tpu.memref_squeeze %dma_start3A_189 : memref<1x80x128xf32, #tpu.memory_space<vmem>> -> memref<80x128xf32, #tpu.memory_space<vmem>>
        tpu.enqueue_dma source(%dma_start3A_190 : memref<80x128xf32, #tpu.memory_space<vmem>>) target(%dma_start3A_186 : memref<80x128xf32, #tpu.memory_space<vmem_shared>>) target_semaphore(%run_scoped3A_178 : memref<!tpu.dma_semaphore, #tpu.memory_space<semaphore_mem>>)
        %dma_wait3A_191 = arith.constant 0 : i32
        %dma_wait3A_192 = arith.constant 0 : i32
        %dma_wait3A_193 = tpu.memref_slice %arg10[%run_scoped3A_175, %dma_wait3A_191, %dma_wait3A_192] : memref<2x80x128xf32, #tpu.memory_space<vmem>> -> memref<1x80x128xf32, #tpu.memory_space<vmem>>
        %dma_wait3A_194 = tpu.memref_squeeze %dma_wait3A_193 : memref<1x80x128xf32, #tpu.memory_space<vmem>> -> memref<80x128xf32, #tpu.memory_space<vmem>>
        %dma_wait3A_195 = arith.constant 0 : i32
        %dma_wait3A_196 = tpu.memref_slice %arg17[%add3A_174, %dma_wait3A_195] : memref<10048x128xf32, #tpu.memory_space<vmem_shared>> -> memref<80x128xf32, #tpu.memory_space<vmem_shared>>
        %dma_wait3A_197 = arith.constant 0 : i32
        %dma_wait3A_198 = tpu.memref_slice %arg17[%add3A_174, %dma_wait3A_197] : memref<10048x128xf32, #tpu.memory_space<vmem_shared>> -> memref<80x128xf32, #tpu.memory_space<vmem_shared>>
        %dma_wait3A_199 = arith.constant 0 : i32
        %dma_wait3A_200 = arith.constant 0 : i32
        %dma_wait3A_201 = tpu.memref_slice %arg10[%run_scoped3A_175, %dma_wait3A_199, %dma_wait3A_200] : memref<2x80x128xf32, #tpu.memory_space<vmem>> -> memref<1x80x128xf32, #tpu.memory_space<vmem>>
        %dma_wait3A_202 = tpu.memref_squeeze %dma_wait3A_201 : memref<1x80x128xf32, #tpu.memory_space<vmem>> -> memref<80x128xf32, #tpu.memory_space<vmem>>
        tpu.wait_dma2 semaphore(%run_scoped3A_178 : memref<!tpu.dma_semaphore, #tpu.memory_space<semaphore_mem>>) src(%dma_wait3A_202 : memref<80x128xf32, #tpu.memory_space<vmem>>) dst(%dma_wait3A_198 : memref<80x128xf32, #tpu.memory_space<vmem_shared>>)
        tpu.yield
      }) : () -> ()
      %run_scoped3A_176 = arith.constant 0 : i32
      "tpu.region"() ({
        %run_scoped3A_178 = tpu.sem_alloc : memref<!tpu.dma_semaphore, #tpu.memory_space<semaphore_mem>>
        %dma_start3A_179 = arith.constant 0 : i32
        %dma_start3A_180 = arith.constant 0 : i32
        %dma_start3A_181 = tpu.memref_slice %arg11[%run_scoped3A_176, %dma_start3A_179, %dma_start3A_180] : memref<2x80x16xf32, #tpu.memory_space<vmem>> -> memref<1x80x16xf32, #tpu.memory_space<vmem>>
        %dma_start3A_182 = tpu.memref_squeeze %dma_start3A_181 : memref<1x80x16xf32, #tpu.memory_space<vmem>> -> memref<80x16xf32, #tpu.memory_space<vmem>>
        %dma_start3A_183 = arith.constant 0 : i32
        %dma_start3A_184 = tpu.memref_slice %arg18[%add3A_174, %dma_start3A_183] : memref<10048x16xf32, #tpu.memory_space<vmem_shared>> -> memref<80x16xf32, #tpu.memory_space<vmem_shared>>
        %dma_start3A_185 = arith.constant 0 : i32
        %dma_start3A_186 = tpu.memref_slice %arg18[%add3A_174, %dma_start3A_185] : memref<10048x16xf32, #tpu.memory_space<vmem_shared>> -> memref<80x16xf32, #tpu.memory_space<vmem_shared>>
        %dma_start3A_187 = arith.constant 0 : i32
        %dma_start3A_188 = arith.constant 0 : i32
        %dma_start3A_189 = tpu.memref_slice %arg11[%run_scoped3A_176, %dma_start3A_187, %dma_start3A_188] : memref<2x80x16xf32, #tpu.memory_space<vmem>> -> memref<1x80x16xf32, #tpu.memory_space<vmem>>
        %dma_start3A_190 = tpu.memref_squeeze %dma_start3A_189 : memref<1x80x16xf32, #tpu.memory_space<vmem>> -> memref<80x16xf32, #tpu.memory_space<vmem>>
        tpu.enqueue_dma source(%dma_start3A_190 : memref<80x16xf32, #tpu.memory_space<vmem>>) target(%dma_start3A_186 : memref<80x16xf32, #tpu.memory_space<vmem_shared>>) target_semaphore(%run_scoped3A_178 : memref<!tpu.dma_semaphore, #tpu.memory_space<semaphore_mem>>)
        %dma_wait3A_191 = arith.constant 0 : i32
        %dma_wait3A_192 = arith.constant 0 : i32
        %dma_wait3A_193 = tpu.memref_slice %arg11[%run_scoped3A_176, %dma_wait3A_191, %dma_wait3A_192] : memref<2x80x16xf32, #tpu.memory_space<vmem>> -> memref<1x80x16xf32, #tpu.memory_space<vmem>>
        %dma_wait3A_194 = tpu.memref_squeeze %dma_wait3A_193 : memref<1x80x16xf32, #tpu.memory_space<vmem>> -> memref<80x16xf32, #tpu.memory_space<vmem>>
        %dma_wait3A_195 = arith.constant 0 : i32
        %dma_wait3A_196 = tpu.memref_slice %arg18[%add3A_174, %dma_wait3A_195] : memref<10048x16xf32, #tpu.memory_space<vmem_shared>> -> memref<80x16xf32, #tpu.memory_space<vmem_shared>>
        %dma_wait3A_197 = arith.constant 0 : i32
        %dma_wait3A_198 = tpu.memref_slice %arg18[%add3A_174, %dma_wait3A_197] : memref<10048x16xf32, #tpu.memory_space<vmem_shared>> -> memref<80x16xf32, #tpu.memory_space<vmem_shared>>
        %dma_wait3A_199 = arith.constant 0 : i32
        %dma_wait3A_200 = arith.constant 0 : i32
        %dma_wait3A_201 = tpu.memref_slice %arg11[%run_scoped3A_176, %dma_wait3A_199, %dma_wait3A_200] : memref<2x80x16xf32, #tpu.memory_space<vmem>> -> memref<1x80x16xf32, #tpu.memory_space<vmem>>
        %dma_wait3A_202 = tpu.memref_squeeze %dma_wait3A_201 : memref<1x80x16xf32, #tpu.memory_space<vmem>> -> memref<80x16xf32, #tpu.memory_space<vmem>>
        tpu.wait_dma2 semaphore(%run_scoped3A_178 : memref<!tpu.dma_semaphore, #tpu.memory_space<semaphore_mem>>) src(%dma_wait3A_202 : memref<80x16xf32, #tpu.memory_space<vmem>>) dst(%dma_wait3A_198 : memref<80x16xf32, #tpu.memory_space<vmem_shared>>)
        tpu.yield
      }) : () -> ()
      %run_scoped3A_177 = arith.constant 0 : i32
      "tpu.region"() ({
        %run_scoped3A_178 = tpu.sem_alloc : memref<!tpu.dma_semaphore, #tpu.memory_space<semaphore_mem>>
        %dma_start3A_179 = arith.constant 0 : i32
        %dma_start3A_180 = arith.constant 0 : i32
        %dma_start3A_181 = tpu.memref_slice %arg11[%run_scoped3A_177, %dma_start3A_179, %dma_start3A_180] : memref<2x80x16xf32, #tpu.memory_space<vmem>> -> memref<1x80x16xf32, #tpu.memory_space<vmem>>
        %dma_start3A_182 = tpu.memref_squeeze %dma_start3A_181 : memref<1x80x16xf32, #tpu.memory_space<vmem>> -> memref<80x16xf32, #tpu.memory_space<vmem>>
        %dma_start3A_183 = arith.constant 0 : i32
        %dma_start3A_184 = tpu.memref_slice %arg19[%add3A_174, %dma_start3A_183] : memref<10048x16xf32, #tpu.memory_space<vmem_shared>> -> memref<80x16xf32, #tpu.memory_space<vmem_shared>>
        %dma_start3A_185 = arith.constant 0 : i32
        %dma_start3A_186 = tpu.memref_slice %arg19[%add3A_174, %dma_start3A_185] : memref<10048x16xf32, #tpu.memory_space<vmem_shared>> -> memref<80x16xf32, #tpu.memory_space<vmem_shared>>
        %dma_start3A_187 = arith.constant 0 : i32
        %dma_start3A_188 = arith.constant 0 : i32
        %dma_start3A_189 = tpu.memref_slice %arg11[%run_scoped3A_177, %dma_start3A_187, %dma_start3A_188] : memref<2x80x16xf32, #tpu.memory_space<vmem>> -> memref<1x80x16xf32, #tpu.memory_space<vmem>>
        %dma_start3A_190 = tpu.memref_squeeze %dma_start3A_189 : memref<1x80x16xf32, #tpu.memory_space<vmem>> -> memref<80x16xf32, #tpu.memory_space<vmem>>
        tpu.enqueue_dma source(%dma_start3A_190 : memref<80x16xf32, #tpu.memory_space<vmem>>) target(%dma_start3A_186 : memref<80x16xf32, #tpu.memory_space<vmem_shared>>) target_semaphore(%run_scoped3A_178 : memref<!tpu.dma_semaphore, #tpu.memory_space<semaphore_mem>>)
        %dma_wait3A_191 = arith.constant 0 : i32
        %dma_wait3A_192 = arith.constant 0 : i32
        %dma_wait3A_193 = tpu.memref_slice %arg11[%run_scoped3A_177, %dma_wait3A_191, %dma_wait3A_192] : memref<2x80x16xf32, #tpu.memory_space<vmem>> -> memref<1x80x16xf32, #tpu.memory_space<vmem>>
        %dma_wait3A_194 = tpu.memref_squeeze %dma_wait3A_193 : memref<1x80x16xf32, #tpu.memory_space<vmem>> -> memref<80x16xf32, #tpu.memory_space<vmem>>
        %dma_wait3A_195 = arith.constant 0 : i32
        %dma_wait3A_196 = tpu.memref_slice %arg19[%add3A_174, %dma_wait3A_195] : memref<10048x16xf32, #tpu.memory_space<vmem_shared>> -> memref<80x16xf32, #tpu.memory_space<vmem_shared>>
        %dma_wait3A_197 = arith.constant 0 : i32
        %dma_wait3A_198 = tpu.memref_slice %arg19[%add3A_174, %dma_wait3A_197] : memref<10048x16xf32, #tpu.memory_space<vmem_shared>> -> memref<80x16xf32, #tpu.memory_space<vmem_shared>>
        %dma_wait3A_199 = arith.constant 0 : i32
        %dma_wait3A_200 = arith.constant 0 : i32
        %dma_wait3A_201 = tpu.memref_slice %arg11[%run_scoped3A_177, %dma_wait3A_199, %dma_wait3A_200] : memref<2x80x16xf32, #tpu.memory_space<vmem>> -> memref<1x80x16xf32, #tpu.memory_space<vmem>>
        %dma_wait3A_202 = tpu.memref_squeeze %dma_wait3A_201 : memref<1x80x16xf32, #tpu.memory_space<vmem>> -> memref<80x16xf32, #tpu.memory_space<vmem>>
        tpu.wait_dma2 semaphore(%run_scoped3A_178 : memref<!tpu.dma_semaphore, #tpu.memory_space<semaphore_mem>>) src(%dma_wait3A_202 : memref<80x16xf32, #tpu.memory_space<vmem>>) dst(%dma_wait3A_198 : memref<80x16xf32, #tpu.memory_space<vmem_shared>>)
        tpu.yield
      }) : () -> ()
    }
    %scan3A_12 = arith.constant 7 : i32
    %mul3A = arith.constant 628 : i32
    %mul3A_13 = arith.muli %arg1, %mul3A : i32
    %add3A = arith.constant 560 : i32
    %add3A_14 = arith.addi %mul3A_13, %add3A : i32
    %run_scoped3A = arith.constant 0 : i32
    "tpu.region"() ({
      %run_scoped3A_165 = tpu.sem_alloc : memref<!tpu.dma_semaphore, #tpu.memory_space<semaphore_mem>>
      %dma_start3A_166 = arith.constant 0 : i32
      %dma_start3A_167 = arith.constant 0 : i32
      %dma_start3A_168 = tpu.memref_slice %arg10[%run_scoped3A, %dma_start3A_166, %dma_start3A_167] : memref<2x80x128xf32, #tpu.memory_space<vmem>> -> memref<1x68x128xf32, #tpu.memory_space<vmem>>
      %dma_start3A_169 = tpu.memref_squeeze %dma_start3A_168 : memref<1x68x128xf32, #tpu.memory_space<vmem>> -> memref<68x128xf32, #tpu.memory_space<vmem>>
      %dma_start3A_170 = arith.constant 0 : i32
      %dma_start3A_171 = tpu.memref_slice %arg17[%add3A_14, %dma_start3A_170] : memref<10048x128xf32, #tpu.memory_space<vmem_shared>> -> memref<68x128xf32, #tpu.memory_space<vmem_shared>>
      %dma_start3A_172 = arith.constant 0 : i32
      %dma_start3A_173 = tpu.memref_slice %arg17[%add3A_14, %dma_start3A_172] : memref<10048x128xf32, #tpu.memory_space<vmem_shared>> -> memref<68x128xf32, #tpu.memory_space<vmem_shared>>
      %dma_start3A_174 = arith.constant 0 : i32
      %dma_start3A_175 = arith.constant 0 : i32
      %dma_start3A_176 = tpu.memref_slice %arg10[%run_scoped3A, %dma_start3A_174, %dma_start3A_175] : memref<2x80x128xf32, #tpu.memory_space<vmem>> -> memref<1x68x128xf32, #tpu.memory_space<vmem>>
      %dma_start3A_177 = tpu.memref_squeeze %dma_start3A_176 : memref<1x68x128xf32, #tpu.memory_space<vmem>> -> memref<68x128xf32, #tpu.memory_space<vmem>>
      tpu.enqueue_dma source(%dma_start3A_177 : memref<68x128xf32, #tpu.memory_space<vmem>>) target(%dma_start3A_173 : memref<68x128xf32, #tpu.memory_space<vmem_shared>>) target_semaphore(%run_scoped3A_165 : memref<!tpu.dma_semaphore, #tpu.memory_space<semaphore_mem>>)
      %dma_wait3A_178 = arith.constant 0 : i32
      %dma_wait3A_179 = arith.constant 0 : i32
      %dma_wait3A_180 = tpu.memref_slice %arg10[%run_scoped3A, %dma_wait3A_178, %dma_wait3A_179] : memref<2x80x128xf32, #tpu.memory_space<vmem>> -> memref<1x68x128xf32, #tpu.memory_space<vmem>>
      %dma_wait3A_181 = tpu.memref_squeeze %dma_wait3A_180 : memref<1x68x128xf32, #tpu.memory_space<vmem>> -> memref<68x128xf32, #tpu.memory_space<vmem>>
      %dma_wait3A_182 = arith.constant 0 : i32
      %dma_wait3A_183 = tpu.memref_slice %arg17[%add3A_14, %dma_wait3A_182] : memref<10048x128xf32, #tpu.memory_space<vmem_shared>> -> memref<68x128xf32, #tpu.memory_space<vmem_shared>>
      %dma_wait3A_184 = arith.constant 0 : i32
      %dma_wait3A_185 = tpu.memref_slice %arg17[%add3A_14, %dma_wait3A_184] : memref<10048x128xf32, #tpu.memory_space<vmem_shared>> -> memref<68x128xf32, #tpu.memory_space<vmem_shared>>
      %dma_wait3A_186 = arith.constant 0 : i32
      %dma_wait3A_187 = arith.constant 0 : i32
      %dma_wait3A_188 = tpu.memref_slice %arg10[%run_scoped3A, %dma_wait3A_186, %dma_wait3A_187] : memref<2x80x128xf32, #tpu.memory_space<vmem>> -> memref<1x68x128xf32, #tpu.memory_space<vmem>>
      %dma_wait3A_189 = tpu.memref_squeeze %dma_wait3A_188 : memref<1x68x128xf32, #tpu.memory_space<vmem>> -> memref<68x128xf32, #tpu.memory_space<vmem>>
      tpu.wait_dma2 semaphore(%run_scoped3A_165 : memref<!tpu.dma_semaphore, #tpu.memory_space<semaphore_mem>>) src(%dma_wait3A_189 : memref<68x128xf32, #tpu.memory_space<vmem>>) dst(%dma_wait3A_185 : memref<68x128xf32, #tpu.memory_space<vmem_shared>>)
      tpu.yield
    }) : () -> ()
    %run_scoped3A_15 = arith.constant 0 : i32
    "tpu.region"() ({
      %run_scoped3A_165 = tpu.sem_alloc : memref<!tpu.dma_semaphore, #tpu.memory_space<semaphore_mem>>
      %dma_start3A_166 = arith.constant 0 : i32
      %dma_start3A_167 = arith.constant 0 : i32
      %dma_start3A_168 = tpu.memref_slice %arg11[%run_scoped3A_15, %dma_start3A_166, %dma_start3A_167] : memref<2x80x16xf32, #tpu.memory_space<vmem>> -> memref<1x68x16xf32, #tpu.memory_space<vmem>>
      %dma_start3A_169 = tpu.memref_squeeze %dma_start3A_168 : memref<1x68x16xf32, #tpu.memory_space<vmem>> -> memref<68x16xf32, #tpu.memory_space<vmem>>
      %dma_start3A_170 = arith.constant 0 : i32
      %dma_start3A_171 = tpu.memref_slice %arg18[%add3A_14, %dma_start3A_170] : memref<10048x16xf32, #tpu.memory_space<vmem_shared>> -> memref<68x16xf32, #tpu.memory_space<vmem_shared>>
      %dma_start3A_172 = arith.constant 0 : i32
      %dma_start3A_173 = tpu.memref_slice %arg18[%add3A_14, %dma_start3A_172] : memref<10048x16xf32, #tpu.memory_space<vmem_shared>> -> memref<68x16xf32, #tpu.memory_space<vmem_shared>>
      %dma_start3A_174 = arith.constant 0 : i32
      %dma_start3A_175 = arith.constant 0 : i32
      %dma_start3A_176 = tpu.memref_slice %arg11[%run_scoped3A_15, %dma_start3A_174, %dma_start3A_175] : memref<2x80x16xf32, #tpu.memory_space<vmem>> -> memref<1x68x16xf32, #tpu.memory_space<vmem>>
      %dma_start3A_177 = tpu.memref_squeeze %dma_start3A_176 : memref<1x68x16xf32, #tpu.memory_space<vmem>> -> memref<68x16xf32, #tpu.memory_space<vmem>>
      tpu.enqueue_dma source(%dma_start3A_177 : memref<68x16xf32, #tpu.memory_space<vmem>>) target(%dma_start3A_173 : memref<68x16xf32, #tpu.memory_space<vmem_shared>>) target_semaphore(%run_scoped3A_165 : memref<!tpu.dma_semaphore, #tpu.memory_space<semaphore_mem>>)
      %dma_wait3A_178 = arith.constant 0 : i32
      %dma_wait3A_179 = arith.constant 0 : i32
      %dma_wait3A_180 = tpu.memref_slice %arg11[%run_scoped3A_15, %dma_wait3A_178, %dma_wait3A_179] : memref<2x80x16xf32, #tpu.memory_space<vmem>> -> memref<1x68x16xf32, #tpu.memory_space<vmem>>
      %dma_wait3A_181 = tpu.memref_squeeze %dma_wait3A_180 : memref<1x68x16xf32, #tpu.memory_space<vmem>> -> memref<68x16xf32, #tpu.memory_space<vmem>>
      %dma_wait3A_182 = arith.constant 0 : i32
      %dma_wait3A_183 = tpu.memref_slice %arg18[%add3A_14, %dma_wait3A_182] : memref<10048x16xf32, #tpu.memory_space<vmem_shared>> -> memref<68x16xf32, #tpu.memory_space<vmem_shared>>
      %dma_wait3A_184 = arith.constant 0 : i32
      %dma_wait3A_185 = tpu.memref_slice %arg18[%add3A_14, %dma_wait3A_184] : memref<10048x16xf32, #tpu.memory_space<vmem_shared>> -> memref<68x16xf32, #tpu.memory_space<vmem_shared>>
      %dma_wait3A_186 = arith.constant 0 : i32
      %dma_wait3A_187 = arith.constant 0 : i32
      %dma_wait3A_188 = tpu.memref_slice %arg11[%run_scoped3A_15, %dma_wait3A_186, %dma_wait3A_187] : memref<2x80x16xf32, #tpu.memory_space<vmem>> -> memref<1x68x16xf32, #tpu.memory_space<vmem>>
      %dma_wait3A_189 = tpu.memref_squeeze %dma_wait3A_188 : memref<1x68x16xf32, #tpu.memory_space<vmem>> -> memref<68x16xf32, #tpu.memory_space<vmem>>
      tpu.wait_dma2 semaphore(%run_scoped3A_165 : memref<!tpu.dma_semaphore, #tpu.memory_space<semaphore_mem>>) src(%dma_wait3A_189 : memref<68x16xf32, #tpu.memory_space<vmem>>) dst(%dma_wait3A_185 : memref<68x16xf32, #tpu.memory_space<vmem_shared>>)
      tpu.yield
    }) : () -> ()
    %run_scoped3A_16 = arith.constant 0 : i32
    "tpu.region"() ({
      %run_scoped3A_165 = tpu.sem_alloc : memref<!tpu.dma_semaphore, #tpu.memory_space<semaphore_mem>>
      %dma_start3A_166 = arith.constant 0 : i32
      %dma_start3A_167 = arith.constant 0 : i32
      %dma_start3A_168 = tpu.memref_slice %arg11[%run_scoped3A_16, %dma_start3A_166, %dma_start3A_167] : memref<2x80x16xf32, #tpu.memory_space<vmem>> -> memref<1x68x16xf32, #tpu.memory_space<vmem>>
      %dma_start3A_169 = tpu.memref_squeeze %dma_start3A_168 : memref<1x68x16xf32, #tpu.memory_space<vmem>> -> memref<68x16xf32, #tpu.memory_space<vmem>>
      %dma_start3A_170 = arith.constant 0 : i32
      %dma_start3A_171 = tpu.memref_slice %arg19[%add3A_14, %dma_start3A_170] : memref<10048x16xf32, #tpu.memory_space<vmem_shared>> -> memref<68x16xf32, #tpu.memory_space<vmem_shared>>
      %dma_start3A_172 = arith.constant 0 : i32
      %dma_start3A_173 = tpu.memref_slice %arg19[%add3A_14, %dma_start3A_172] : memref<10048x16xf32, #tpu.memory_space<vmem_shared>> -> memref<68x16xf32, #tpu.memory_space<vmem_shared>>
      %dma_start3A_174 = arith.constant 0 : i32
      %dma_start3A_175 = arith.constant 0 : i32
      %dma_start3A_176 = tpu.memref_slice %arg11[%run_scoped3A_16, %dma_start3A_174, %dma_start3A_175] : memref<2x80x16xf32, #tpu.memory_space<vmem>> -> memref<1x68x16xf32, #tpu.memory_space<vmem>>
      %dma_start3A_177 = tpu.memref_squeeze %dma_start3A_176 : memref<1x68x16xf32, #tpu.memory_space<vmem>> -> memref<68x16xf32, #tpu.memory_space<vmem>>
      tpu.enqueue_dma source(%dma_start3A_177 : memref<68x16xf32, #tpu.memory_space<vmem>>) target(%dma_start3A_173 : memref<68x16xf32, #tpu.memory_space<vmem_shared>>) target_semaphore(%run_scoped3A_165 : memref<!tpu.dma_semaphore, #tpu.memory_space<semaphore_mem>>)
      %dma_wait3A_178 = arith.constant 0 : i32
      %dma_wait3A_179 = arith.constant 0 : i32
      %dma_wait3A_180 = tpu.memref_slice %arg11[%run_scoped3A_16, %dma_wait3A_178, %dma_wait3A_179] : memref<2x80x16xf32, #tpu.memory_space<vmem>> -> memref<1x68x16xf32, #tpu.memory_space<vmem>>
      %dma_wait3A_181 = tpu.memref_squeeze %dma_wait3A_180 : memref<1x68x16xf32, #tpu.memory_space<vmem>> -> memref<68x16xf32, #tpu.memory_space<vmem>>
      %dma_wait3A_182 = arith.constant 0 : i32
      %dma_wait3A_183 = tpu.memref_slice %arg19[%add3A_14, %dma_wait3A_182] : memref<10048x16xf32, #tpu.memory_space<vmem_shared>> -> memref<68x16xf32, #tpu.memory_space<vmem_shared>>
      %dma_wait3A_184 = arith.constant 0 : i32
      %dma_wait3A_185 = tpu.memref_slice %arg19[%add3A_14, %dma_wait3A_184] : memref<10048x16xf32, #tpu.memory_space<vmem_shared>> -> memref<68x16xf32, #tpu.memory_space<vmem_shared>>
      %dma_wait3A_186 = arith.constant 0 : i32
      %dma_wait3A_187 = arith.constant 0 : i32
      %dma_wait3A_188 = tpu.memref_slice %arg11[%run_scoped3A_16, %dma_wait3A_186, %dma_wait3A_187] : memref<2x80x16xf32, #tpu.memory_space<vmem>> -> memref<1x68x16xf32, #tpu.memory_space<vmem>>
      %dma_wait3A_189 = tpu.memref_squeeze %dma_wait3A_188 : memref<1x68x16xf32, #tpu.memory_space<vmem>> -> memref<68x16xf32, #tpu.memory_space<vmem>>
      tpu.wait_dma2 semaphore(%run_scoped3A_165 : memref<!tpu.dma_semaphore, #tpu.memory_space<semaphore_mem>>) src(%dma_wait3A_189 : memref<68x16xf32, #tpu.memory_space<vmem>>) dst(%dma_wait3A_185 : memref<68x16xf32, #tpu.memory_space<vmem_shared>>)
      tpu.yield
    }) : () -> ()
    %barrier3A = arith.constant 0 : index
    tpu.barrier barrier_id(%barrier3A)
    %mul3A_17 = arith.constant 16 : i32
    %mul3A_18 = arith.muli %arg0, %mul3A_17 : i32
    %add3A_19 = arith.addi %mul3A_18, %arg1 : i32
    %mul3A_20 = arith.constant 125 : i32
    %mul3A_21 = arith.muli %add3A_19, %mul3A_20 : i32
    %add3A_22 = arith.constant 0 : i32
    %add3A_23 = arith.addi %mul3A_21, %add3A_22 : i32
    %mul3A_24 = arith.constant 80 : i32
    %mul3A_25 = arith.muli %add3A_23, %mul3A_24 : i32
    %dma_start3A = arith.constant 0 : i32
    %dma_start3A_26 = arith.constant 0 : i32
    %dma_start3A_27 = arith.constant 0 : i32
    %dma_start3A_28 = tpu.memref_slice %arg8[%dma_start3A_26, %dma_start3A_27] : memref<2x80xi32, #tpu.memory_space<vmem>> -> memref<1x80xi32, #tpu.memory_space<vmem>>
    %dma_start3A_29 = tpu.memref_squeeze %dma_start3A_28 : memref<1x80xi32, #tpu.memory_space<vmem>> -> memref<80xi32, #tpu.memory_space<vmem>>
    %dma_start3A_30 = tpu.memref_slice %arg4[%dma_start3A, %mul3A_25] : memref<2x320000xi32, #tpu.memory_space<hbm>> -> memref<1x80xi32, #tpu.memory_space<hbm>>
    %dma_start3A_31 = tpu.memref_squeeze %dma_start3A_30 : memref<1x80xi32, #tpu.memory_space<hbm>> -> memref<80xi32, #tpu.memory_space<hbm>>
    %dma_start3A_32 = arith.constant 0 : i32
    %dma_start3A_33 = tpu.memref_slice %arg8[%dma_start3A_26, %dma_start3A_32] : memref<2x80xi32, #tpu.memory_space<vmem>> -> memref<1x80xi32, #tpu.memory_space<vmem>>
    %dma_start3A_34 = tpu.memref_squeeze %dma_start3A_33 : memref<1x80xi32, #tpu.memory_space<vmem>> -> memref<80xi32, #tpu.memory_space<vmem>>
    %dma_start3A_35 = tpu.memref_slice %arg4[%dma_start3A, %mul3A_25] : memref<2x320000xi32, #tpu.memory_space<hbm>> -> memref<1x80xi32, #tpu.memory_space<hbm>>
    %dma_start3A_36 = tpu.memref_squeeze %dma_start3A_35 : memref<1x80xi32, #tpu.memory_space<hbm>> -> memref<80xi32, #tpu.memory_space<hbm>>
    tpu.enqueue_dma source(%dma_start3A_36 : memref<80xi32, #tpu.memory_space<hbm>>) target(%dma_start3A_34 : memref<80xi32, #tpu.memory_space<vmem>>) target_semaphore(%arg15 : memref<!tpu.dma_semaphore, #tpu.memory_space<semaphore_mem>>)
    %dma_start3A_37 = arith.constant 1 : i32
    %dma_start3A_38 = arith.constant 0 : i32
    %dma_start3A_39 = arith.constant 0 : i32
    %dma_start3A_40 = tpu.memref_slice %arg9[%dma_start3A_38, %dma_start3A_39] : memref<2x80xi32, #tpu.memory_space<vmem>> -> memref<1x80xi32, #tpu.memory_space<vmem>>
    %dma_start3A_41 = tpu.memref_squeeze %dma_start3A_40 : memref<1x80xi32, #tpu.memory_space<vmem>> -> memref<80xi32, #tpu.memory_space<vmem>>
    %dma_start3A_42 = tpu.memref_slice %arg4[%dma_start3A_37, %mul3A_25] : memref<2x320000xi32, #tpu.memory_space<hbm>> -> memref<1x80xi32, #tpu.memory_space<hbm>>
    %dma_start3A_43 = tpu.memref_squeeze %dma_start3A_42 : memref<1x80xi32, #tpu.memory_space<hbm>> -> memref<80xi32, #tpu.memory_space<hbm>>
    %dma_start3A_44 = arith.constant 0 : i32
    %dma_start3A_45 = tpu.memref_slice %arg9[%dma_start3A_38, %dma_start3A_44] : memref<2x80xi32, #tpu.memory_space<vmem>> -> memref<1x80xi32, #tpu.memory_space<vmem>>
    %dma_start3A_46 = tpu.memref_squeeze %dma_start3A_45 : memref<1x80xi32, #tpu.memory_space<vmem>> -> memref<80xi32, #tpu.memory_space<vmem>>
    %dma_start3A_47 = tpu.memref_slice %arg4[%dma_start3A_37, %mul3A_25] : memref<2x320000xi32, #tpu.memory_space<hbm>> -> memref<1x80xi32, #tpu.memory_space<hbm>>
    %dma_start3A_48 = tpu.memref_squeeze %dma_start3A_47 : memref<1x80xi32, #tpu.memory_space<hbm>> -> memref<80xi32, #tpu.memory_space<hbm>>
    tpu.enqueue_dma source(%dma_start3A_48 : memref<80xi32, #tpu.memory_space<hbm>>) target(%dma_start3A_46 : memref<80xi32, #tpu.memory_space<vmem>>) target_semaphore(%arg15 : memref<!tpu.dma_semaphore, #tpu.memory_space<semaphore_mem>>)
    %add3A_49 = arith.constant 0 : i32
    %add3A_50 = arith.addi %mul3A_21, %add3A_49 : i32
    %mul3A_51 = arith.constant 80 : i32
    %mul3A_52 = arith.muli %add3A_50, %mul3A_51 : i32
    %dma_wait3A = arith.constant 0 : i32
    %dma_wait3A_53 = arith.constant 0 : i32
    %dma_wait3A_54 = arith.constant 0 : i32
    %dma_wait3A_55 = tpu.memref_slice %arg8[%dma_wait3A_53, %dma_wait3A_54] : memref<2x80xi32, #tpu.memory_space<vmem>> -> memref<1x80xi32, #tpu.memory_space<vmem>>
    %dma_wait3A_56 = tpu.memref_squeeze %dma_wait3A_55 : memref<1x80xi32, #tpu.memory_space<vmem>> -> memref<80xi32, #tpu.memory_space<vmem>>
    %dma_wait3A_57 = tpu.memref_slice %arg4[%dma_wait3A, %mul3A_52] : memref<2x320000xi32, #tpu.memory_space<hbm>> -> memref<1x80xi32, #tpu.memory_space<hbm>>
    %dma_wait3A_58 = tpu.memref_squeeze %dma_wait3A_57 : memref<1x80xi32, #tpu.memory_space<hbm>> -> memref<80xi32, #tpu.memory_space<hbm>>
    %dma_wait3A_59 = arith.constant 0 : i32
    %dma_wait3A_60 = tpu.memref_slice %arg8[%dma_wait3A_53, %dma_wait3A_59] : memref<2x80xi32, #tpu.memory_space<vmem>> -> memref<1x80xi32, #tpu.memory_space<vmem>>
    %dma_wait3A_61 = tpu.memref_squeeze %dma_wait3A_60 : memref<1x80xi32, #tpu.memory_space<vmem>> -> memref<80xi32, #tpu.memory_space<vmem>>
    %dma_wait3A_62 = tpu.memref_slice %arg4[%dma_wait3A, %mul3A_52] : memref<2x320000xi32, #tpu.memory_space<hbm>> -> memref<1x80xi32, #tpu.memory_space<hbm>>
    %dma_wait3A_63 = tpu.memref_squeeze %dma_wait3A_62 : memref<1x80xi32, #tpu.memory_space<hbm>> -> memref<80xi32, #tpu.memory_space<hbm>>
    tpu.wait_dma2 semaphore(%arg15 : memref<!tpu.dma_semaphore, #tpu.memory_space<semaphore_mem>>) src(%dma_wait3A_63 : memref<80xi32, #tpu.memory_space<hbm>>) dst(%dma_wait3A_61 : memref<80xi32, #tpu.memory_space<vmem>>)
    %dma_wait3A_64 = arith.constant 1 : i32
    %dma_wait3A_65 = arith.constant 0 : i32
    %dma_wait3A_66 = arith.constant 0 : i32
    %dma_wait3A_67 = tpu.memref_slice %arg9[%dma_wait3A_65, %dma_wait3A_66] : memref<2x80xi32, #tpu.memory_space<vmem>> -> memref<1x80xi32, #tpu.memory_space<vmem>>
    %dma_wait3A_68 = tpu.memref_squeeze %dma_wait3A_67 : memref<1x80xi32, #tpu.memory_space<vmem>> -> memref<80xi32, #tpu.memory_space<vmem>>
    %dma_wait3A_69 = tpu.memref_slice %arg4[%dma_wait3A_64, %mul3A_52] : memref<2x320000xi32, #tpu.memory_space<hbm>> -> memref<1x80xi32, #tpu.memory_space<hbm>>
    %dma_wait3A_70 = tpu.memref_squeeze %dma_wait3A_69 : memref<1x80xi32, #tpu.memory_space<hbm>> -> memref<80xi32, #tpu.memory_space<hbm>>
    %dma_wait3A_71 = arith.constant 0 : i32
    %dma_wait3A_72 = tpu.memref_slice %arg9[%dma_wait3A_65, %dma_wait3A_71] : memref<2x80xi32, #tpu.memory_space<vmem>> -> memref<1x80xi32, #tpu.memory_space<vmem>>
    %dma_wait3A_73 = tpu.memref_squeeze %dma_wait3A_72 : memref<1x80xi32, #tpu.memory_space<vmem>> -> memref<80xi32, #tpu.memory_space<vmem>>
    %dma_wait3A_74 = tpu.memref_slice %arg4[%dma_wait3A_64, %mul3A_52] : memref<2x320000xi32, #tpu.memory_space<hbm>> -> memref<1x80xi32, #tpu.memory_space<hbm>>
    %dma_wait3A_75 = tpu.memref_squeeze %dma_wait3A_74 : memref<1x80xi32, #tpu.memory_space<hbm>> -> memref<80xi32, #tpu.memory_space<hbm>>
    tpu.wait_dma2 semaphore(%arg15 : memref<!tpu.dma_semaphore, #tpu.memory_space<semaphore_mem>>) src(%dma_wait3A_75 : memref<80xi32, #tpu.memory_space<hbm>>) dst(%dma_wait3A_73 : memref<80xi32, #tpu.memory_space<vmem>>)
    %add3A_76 = arith.constant 1 : i32
    %add3A_77 = arith.addi %mul3A_21, %add3A_76 : i32
    %mul3A_78 = arith.constant 80 : i32
    %mul3A_79 = arith.muli %add3A_77, %mul3A_78 : i32
    %dma_start3A_80 = arith.constant 0 : i32
    %dma_start3A_81 = arith.constant 1 : i32
    %dma_start3A_82 = arith.constant 0 : i32
    %dma_start3A_83 = tpu.memref_slice %arg8[%dma_start3A_81, %dma_start3A_82] : memref<2x80xi32, #tpu.memory_space<vmem>> -> memref<1x80xi32, #tpu.memory_space<vmem>>
    %dma_start3A_84 = tpu.memref_squeeze %dma_start3A_83 : memref<1x80xi32, #tpu.memory_space<vmem>> -> memref<80xi32, #tpu.memory_space<vmem>>
    %dma_start3A_85 = tpu.memref_slice %arg4[%dma_start3A_80, %mul3A_79] : memref<2x320000xi32, #tpu.memory_space<hbm>> -> memref<1x80xi32, #tpu.memory_space<hbm>>
    %dma_start3A_86 = tpu.memref_squeeze %dma_start3A_85 : memref<1x80xi32, #tpu.memory_space<hbm>> -> memref<80xi32, #tpu.memory_space<hbm>>
    %dma_start3A_87 = arith.constant 0 : i32
    %dma_start3A_88 = tpu.memref_slice %arg8[%dma_start3A_81, %dma_start3A_87] : memref<2x80xi32, #tpu.memory_space<vmem>> -> memref<1x80xi32, #tpu.memory_space<vmem>>
    %dma_start3A_89 = tpu.memref_squeeze %dma_start3A_88 : memref<1x80xi32, #tpu.memory_space<vmem>> -> memref<80xi32, #tpu.memory_space<vmem>>
    %dma_start3A_90 = tpu.memref_slice %arg4[%dma_start3A_80, %mul3A_79] : memref<2x320000xi32, #tpu.memory_space<hbm>> -> memref<1x80xi32, #tpu.memory_space<hbm>>
    %dma_start3A_91 = tpu.memref_squeeze %dma_start3A_90 : memref<1x80xi32, #tpu.memory_space<hbm>> -> memref<80xi32, #tpu.memory_space<hbm>>
    tpu.enqueue_dma source(%dma_start3A_91 : memref<80xi32, #tpu.memory_space<hbm>>) target(%dma_start3A_89 : memref<80xi32, #tpu.memory_space<vmem>>) target_semaphore(%arg16 : memref<!tpu.dma_semaphore, #tpu.memory_space<semaphore_mem>>)
    %dma_start3A_92 = arith.constant 1 : i32
    %dma_start3A_93 = arith.constant 1 : i32
    %dma_start3A_94 = arith.constant 0 : i32
    %dma_start3A_95 = tpu.memref_slice %arg9[%dma_start3A_93, %dma_start3A_94] : memref<2x80xi32, #tpu.memory_space<vmem>> -> memref<1x80xi32, #tpu.memory_space<vmem>>
    %dma_start3A_96 = tpu.memref_squeeze %dma_start3A_95 : memref<1x80xi32, #tpu.memory_space<vmem>> -> memref<80xi32, #tpu.memory_space<vmem>>
    %dma_start3A_97 = tpu.memref_slice %arg4[%dma_start3A_92, %mul3A_79] : memref<2x320000xi32, #tpu.memory_space<hbm>> -> memref<1x80xi32, #tpu.memory_space<hbm>>
    %dma_start3A_98 = tpu.memref_squeeze %dma_start3A_97 : memref<1x80xi32, #tpu.memory_space<hbm>> -> memref<80xi32, #tpu.memory_space<hbm>>
    %dma_start3A_99 = arith.constant 0 : i32
    %dma_start3A_100 = tpu.memref_slice %arg9[%dma_start3A_93, %dma_start3A_99] : memref<2x80xi32, #tpu.memory_space<vmem>> -> memref<1x80xi32, #tpu.memory_space<vmem>>
    %dma_start3A_101 = tpu.memref_squeeze %dma_start3A_100 : memref<1x80xi32, #tpu.memory_space<vmem>> -> memref<80xi32, #tpu.memory_space<vmem>>
    %dma_start3A_102 = tpu.memref_slice %arg4[%dma_start3A_92, %mul3A_79] : memref<2x320000xi32, #tpu.memory_space<hbm>> -> memref<1x80xi32, #tpu.memory_space<hbm>>
    %dma_start3A_103 = tpu.memref_squeeze %dma_start3A_102 : memref<1x80xi32, #tpu.memory_space<hbm>> -> memref<80xi32, #tpu.memory_space<hbm>>
    tpu.enqueue_dma source(%dma_start3A_103 : memref<80xi32, #tpu.memory_space<hbm>>) target(%dma_start3A_101 : memref<80xi32, #tpu.memory_space<vmem>>) target_semaphore(%arg16 : memref<!tpu.dma_semaphore, #tpu.memory_space<semaphore_mem>>)
    %dma_start3A_104 = arith.constant 0 : i32
    %dma_start3A_105 = arith.constant 0 : i32
    %dma_start3A_106 = arith.constant 0 : i32
    %dma_start3A_107 = arith.constant 0 : i32
    %dma_start3A_108 = tpu.memref_slice %arg10[%dma_start3A_105, %dma_start3A_106, %dma_start3A_107] : memref<2x80x128xf32, #tpu.memory_space<vmem>> -> memref<1x80x128xf32, #tpu.memory_space<vmem>>
    %dma_start3A_109 = tpu.memref_squeeze %dma_start3A_108 : memref<1x80x128xf32, #tpu.memory_space<vmem>> -> memref<80x128xf32, #tpu.memory_space<vmem>>
    %dma_start3A_110 = arith.constant 0 : i32
    %dma_start3A_111 = tpu.memref_slice %arg8[%dma_start3A_104, %dma_start3A_110] : memref<2x80xi32, #tpu.memory_space<vmem>> -> memref<1x80xi32, #tpu.memory_space<vmem>>
    %dma_start3A_112 = tpu.memref_squeeze %dma_start3A_111 : memref<1x80xi32, #tpu.memory_space<vmem>> -> memref<80xi32, #tpu.memory_space<vmem>>
    %dma_start3A_113 = arith.constant 0 : i32
    %dma_start3A_114 = arith.constant 0 : i32
    %dma_start3A_115 = tpu.memref_slice %arg2[%dma_start3A_113, %dma_start3A_114] : memref<10000x128xf32, #tpu.memory_space<hbm>> -> memref<10000x128xf32, #tpu.memory_space<hbm>>
    tpu.enqueue_indirect_dma source(%dma_start3A_115 : memref<10000x128xf32, #tpu.memory_space<hbm>>) target(%dma_start3A_109 : memref<80x128xf32, #tpu.memory_space<vmem>>) offsets(%dma_start3A_112 : memref<80xi32, #tpu.memory_space<vmem>>) semaphore(%arg13 : memref<!tpu.dma_semaphore, #tpu.memory_space<semaphore_mem>>)
    %dma_start3A_116 = arith.constant 0 : i32
    %dma_start3A_117 = arith.constant 0 : i32
    %dma_start3A_118 = arith.constant 0 : i32
    %dma_start3A_119 = arith.constant 0 : i32
    %dma_start3A_120 = tpu.memref_slice %arg11[%dma_start3A_117, %dma_start3A_118, %dma_start3A_119] : memref<2x80x16xf32, #tpu.memory_space<vmem>> -> memref<1x80x16xf32, #tpu.memory_space<vmem>>
    %dma_start3A_121 = tpu.memref_squeeze %dma_start3A_120 : memref<1x80x16xf32, #tpu.memory_space<vmem>> -> memref<80x16xf32, #tpu.memory_space<vmem>>
    %dma_start3A_122 = arith.constant 0 : i32
    %dma_start3A_123 = tpu.memref_slice %arg9[%dma_start3A_116, %dma_start3A_122] : memref<2x80xi32, #tpu.memory_space<vmem>> -> memref<1x80xi32, #tpu.memory_space<vmem>>
    %dma_start3A_124 = tpu.memref_squeeze %dma_start3A_123 : memref<1x80xi32, #tpu.memory_space<vmem>> -> memref<80xi32, #tpu.memory_space<vmem>>
    %dma_start3A_125 = arith.constant 0 : i32
    %dma_start3A_126 = arith.constant 0 : i32
    %dma_start3A_127 = tpu.memref_slice %arg3[%dma_start3A_125, %dma_start3A_126] : memref<10048x16xf32, #tpu.memory_space<hbm>> -> memref<10048x16xf32, #tpu.memory_space<hbm>>
    tpu.enqueue_indirect_dma source(%dma_start3A_127 : memref<10048x16xf32, #tpu.memory_space<hbm>>) target(%dma_start3A_121 : memref<80x16xf32, #tpu.memory_space<vmem>>) offsets(%dma_start3A_124 : memref<80xi32, #tpu.memory_space<vmem>>) semaphore(%arg13 : memref<!tpu.dma_semaphore, #tpu.memory_space<semaphore_mem>>)
    %scan3A_128 = arith.constant 0 : i32
    %scan3A_129 = arith.constant 62 : i32
    %scan3A_130 = arith.addi %scan3A_128, %scan3A_129 : i32
    %scan3A_131 = arith.constant 1 : i32
    scf.for %scan3A_165 = %scan3A_128 to %scan3A_130 step %scan3A_131  : i32 {
      %mul3A_166 = arith.constant 2 : i32
      %mul3A_167 = arith.muli %scan3A_165, %mul3A_166 : i32
      %add3A_168 = arith.constant 0 : i32
      %add3A_169 = arith.addi %add3A_168, %mul3A_167 : i32
      %add3A_170 = arith.constant 0 : i32
      %add3A_171 = arith.addi %add3A_169, %add3A_170 : i32
      %dma_wait3A_172 = arith.constant 0 : i32
      %dma_wait3A_173 = arith.constant 0 : i32
      %dma_wait3A_174 = arith.constant 0 : i32
      %dma_wait3A_175 = arith.constant 0 : i32
      %dma_wait3A_176 = tpu.memref_slice %arg10[%dma_wait3A_173, %dma_wait3A_174, %dma_wait3A_175] : memref<2x80x128xf32, #tpu.memory_space<vmem>> -> memref<1x80x128xf32, #tpu.memory_space<vmem>>
      %dma_wait3A_177 = tpu.memref_squeeze %dma_wait3A_176 : memref<1x80x128xf32, #tpu.memory_space<vmem>> -> memref<80x128xf32, #tpu.memory_space<vmem>>
      %dma_wait3A_178 = arith.constant 0 : i32
      %dma_wait3A_179 = tpu.memref_slice %arg8[%dma_wait3A_172, %dma_wait3A_178] : memref<2x80xi32, #tpu.memory_space<vmem>> -> memref<1x80xi32, #tpu.memory_space<vmem>>
      %dma_wait3A_180 = tpu.memref_squeeze %dma_wait3A_179 : memref<1x80xi32, #tpu.memory_space<vmem>> -> memref<80xi32, #tpu.memory_space<vmem>>
      %dma_wait3A_181 = arith.constant 0 : i32
      %dma_wait3A_182 = arith.constant 0 : i32
      %dma_wait3A_183 = tpu.memref_slice %arg2[%dma_wait3A_181, %dma_wait3A_182] : memref<10000x128xf32, #tpu.memory_space<hbm>> -> memref<10000x128xf32, #tpu.memory_space<hbm>>
      tpu.wait_indirect_dma semaphore(%arg13 : memref<!tpu.dma_semaphore, #tpu.memory_space<semaphore_mem>>) src(%dma_wait3A_183 : memref<10000x128xf32, #tpu.memory_space<hbm>>) dst(%dma_wait3A_177 : memref<80x128xf32, #tpu.memory_space<vmem>>)
      %dma_wait3A_184 = arith.constant 0 : i32
      %dma_wait3A_185 = arith.constant 0 : i32
      %dma_wait3A_186 = arith.constant 0 : i32
      %dma_wait3A_187 = arith.constant 0 : i32
      %dma_wait3A_188 = tpu.memref_slice %arg11[%dma_wait3A_185, %dma_wait3A_186, %dma_wait3A_187] : memref<2x80x16xf32, #tpu.memory_space<vmem>> -> memref<1x80x16xf32, #tpu.memory_space<vmem>>
      %dma_wait3A_189 = tpu.memref_squeeze %dma_wait3A_188 : memref<1x80x16xf32, #tpu.memory_space<vmem>> -> memref<80x16xf32, #tpu.memory_space<vmem>>
      %dma_wait3A_190 = arith.constant 0 : i32
      %dma_wait3A_191 = tpu.memref_slice %arg9[%dma_wait3A_184, %dma_wait3A_190] : memref<2x80xi32, #tpu.memory_space<vmem>> -> memref<1x80xi32, #tpu.memory_space<vmem>>
      %dma_wait3A_192 = tpu.memref_squeeze %dma_wait3A_191 : memref<1x80xi32, #tpu.memory_space<vmem>> -> memref<80xi32, #tpu.memory_space<vmem>>
      %dma_wait3A_193 = arith.constant 0 : i32
      %dma_wait3A_194 = arith.constant 0 : i32
      %dma_wait3A_195 = tpu.memref_slice %arg3[%dma_wait3A_193, %dma_wait3A_194] : memref<10048x16xf32, #tpu.memory_space<hbm>> -> memref<10048x16xf32, #tpu.memory_space<hbm>>
      tpu.wait_indirect_dma semaphore(%arg13 : memref<!tpu.dma_semaphore, #tpu.memory_space<semaphore_mem>>) src(%dma_wait3A_195 : memref<10048x16xf32, #tpu.memory_space<hbm>>) dst(%dma_wait3A_189 : memref<80x16xf32, #tpu.memory_space<vmem>>)
      %add3A_196 = arith.constant 1 : i32
      %add3A_197 = arith.addi %add3A_171, %add3A_196 : i32
      %lt3A = arith.constant 125 : i32
      %lt3A_198 = arith.cmpi slt, %add3A_197, %lt3A : i32
      %convert_element_type3A = arith.extui %lt3A_198 : i1 to i32
      %cond3A = arith.constant 0 : i32
      %cond3A_199 = arith.cmpi ne, %convert_element_type3A, %cond3A : i32
      scf.if %cond3A_199 {
        %add3A_257 = arith.constant 1 : i32
        %add3A_258 = arith.addi %add3A_171, %add3A_257 : i32
        %add3A_259 = arith.addi %mul3A_21, %add3A_258 : i32
        %mul3A_260 = arith.constant 80 : i32
        %mul3A_261 = arith.muli %add3A_259, %mul3A_260 : i32
        %dma_wait3A_262 = arith.constant 0 : i32
        %dma_wait3A_263 = arith.constant 1 : i32
        %dma_wait3A_264 = arith.constant 0 : i32
        %dma_wait3A_265 = tpu.memref_slice %arg8[%dma_wait3A_263, %dma_wait3A_264] : memref<2x80xi32, #tpu.memory_space<vmem>> -> memref<1x80xi32, #tpu.memory_space<vmem>>
        %dma_wait3A_266 = tpu.memref_squeeze %dma_wait3A_265 : memref<1x80xi32, #tpu.memory_space<vmem>> -> memref<80xi32, #tpu.memory_space<vmem>>
        %dma_wait3A_267 = tpu.memref_slice %arg4[%dma_wait3A_262, %mul3A_261] : memref<2x320000xi32, #tpu.memory_space<hbm>> -> memref<1x80xi32, #tpu.memory_space<hbm>>
        %dma_wait3A_268 = tpu.memref_squeeze %dma_wait3A_267 : memref<1x80xi32, #tpu.memory_space<hbm>> -> memref<80xi32, #tpu.memory_space<hbm>>
        %dma_wait3A_269 = arith.constant 0 : i32
        %dma_wait3A_270 = tpu.memref_slice %arg8[%dma_wait3A_263, %dma_wait3A_269] : memref<2x80xi32, #tpu.memory_space<vmem>> -> memref<1x80xi32, #tpu.memory_space<vmem>>
        %dma_wait3A_271 = tpu.memref_squeeze %dma_wait3A_270 : memref<1x80xi32, #tpu.memory_space<vmem>> -> memref<80xi32, #tpu.memory_space<vmem>>
        %dma_wait3A_272 = tpu.memref_slice %arg4[%dma_wait3A_262, %mul3A_261] : memref<2x320000xi32, #tpu.memory_space<hbm>> -> memref<1x80xi32, #tpu.memory_space<hbm>>
        %dma_wait3A_273 = tpu.memref_squeeze %dma_wait3A_272 : memref<1x80xi32, #tpu.memory_space<hbm>> -> memref<80xi32, #tpu.memory_space<hbm>>
        tpu.wait_dma2 semaphore(%arg16 : memref<!tpu.dma_semaphore, #tpu.memory_space<semaphore_mem>>) src(%dma_wait3A_273 : memref<80xi32, #tpu.memory_space<hbm>>) dst(%dma_wait3A_271 : memref<80xi32, #tpu.memory_space<vmem>>)
        %dma_wait3A_274 = arith.constant 1 : i32
        %dma_wait3A_275 = arith.constant 1 : i32
        %dma_wait3A_276 = arith.constant 0 : i32
        %dma_wait3A_277 = tpu.memref_slice %arg9[%dma_wait3A_275, %dma_wait3A_276] : memref<2x80xi32, #tpu.memory_space<vmem>> -> memref<1x80xi32, #tpu.memory_space<vmem>>
        %dma_wait3A_278 = tpu.memref_squeeze %dma_wait3A_277 : memref<1x80xi32, #tpu.memory_space<vmem>> -> memref<80xi32, #tpu.memory_space<vmem>>
        %dma_wait3A_279 = tpu.memref_slice %arg4[%dma_wait3A_274, %mul3A_261] : memref<2x320000xi32, #tpu.memory_space<hbm>> -> memref<1x80xi32, #tpu.memory_space<hbm>>
        %dma_wait3A_280 = tpu.memref_squeeze %dma_wait3A_279 : memref<1x80xi32, #tpu.memory_space<hbm>> -> memref<80xi32, #tpu.memory_space<hbm>>
        %dma_wait3A_281 = arith.constant 0 : i32
        %dma_wait3A_282 = tpu.memref_slice %arg9[%dma_wait3A_275, %dma_wait3A_281] : memref<2x80xi32, #tpu.memory_space<vmem>> -> memref<1x80xi32, #tpu.memory_space<vmem>>
        %dma_wait3A_283 = tpu.memref_squeeze %dma_wait3A_282 : memref<1x80xi32, #tpu.memory_space<vmem>> -> memref<80xi32, #tpu.memory_space<vmem>>
        %dma_wait3A_284 = tpu.memref_slice %arg4[%dma_wait3A_274, %mul3A_261] : memref<2x320000xi32, #tpu.memory_space<hbm>> -> memref<1x80xi32, #tpu.memory_space<hbm>>
        %dma_wait3A_285 = tpu.memref_squeeze %dma_wait3A_284 : memref<1x80xi32, #tpu.memory_space<hbm>> -> memref<80xi32, #tpu.memory_space<hbm>>
        tpu.wait_dma2 semaphore(%arg16 : memref<!tpu.dma_semaphore, #tpu.memory_space<semaphore_mem>>) src(%dma_wait3A_285 : memref<80xi32, #tpu.memory_space<hbm>>) dst(%dma_wait3A_283 : memref<80xi32, #tpu.memory_space<vmem>>)
        %dma_start3A_286 = arith.constant 1 : i32
        %dma_start3A_287 = arith.constant 1 : i32
        %dma_start3A_288 = arith.constant 0 : i32
        %dma_start3A_289 = arith.constant 0 : i32
        %dma_start3A_290 = tpu.memref_slice %arg10[%dma_start3A_287, %dma_start3A_288, %dma_start3A_289] : memref<2x80x128xf32, #tpu.memory_space<vmem>> -> memref<1x80x128xf32, #tpu.memory_space<vmem>>
        %dma_start3A_291 = tpu.memref_squeeze %dma_start3A_290 : memref<1x80x128xf32, #tpu.memory_space<vmem>> -> memref<80x128xf32, #tpu.memory_space<vmem>>
        %dma_start3A_292 = arith.constant 0 : i32
        %dma_start3A_293 = tpu.memref_slice %arg8[%dma_start3A_286, %dma_start3A_292] : memref<2x80xi32, #tpu.memory_space<vmem>> -> memref<1x80xi32, #tpu.memory_space<vmem>>
        %dma_start3A_294 = tpu.memref_squeeze %dma_start3A_293 : memref<1x80xi32, #tpu.memory_space<vmem>> -> memref<80xi32, #tpu.memory_space<vmem>>
        %dma_start3A_295 = arith.constant 0 : i32
        %dma_start3A_296 = arith.constant 0 : i32
        %dma_start3A_297 = tpu.memref_slice %arg2[%dma_start3A_295, %dma_start3A_296] : memref<10000x128xf32, #tpu.memory_space<hbm>> -> memref<10000x128xf32, #tpu.memory_space<hbm>>
        tpu.enqueue_indirect_dma source(%dma_start3A_297 : memref<10000x128xf32, #tpu.memory_space<hbm>>) target(%dma_start3A_291 : memref<80x128xf32, #tpu.memory_space<vmem>>) offsets(%dma_start3A_294 : memref<80xi32, #tpu.memory_space<vmem>>) semaphore(%arg14 : memref<!tpu.dma_semaphore, #tpu.memory_space<semaphore_mem>>)
        %dma_start3A_298 = arith.constant 1 : i32
        %dma_start3A_299 = arith.constant 1 : i32
        %dma_start3A_300 = arith.constant 0 : i32
        %dma_start3A_301 = arith.constant 0 : i32
        %dma_start3A_302 = tpu.memref_slice %arg11[%dma_start3A_299, %dma_start3A_300, %dma_start3A_301] : memref<2x80x16xf32, #tpu.memory_space<vmem>> -> memref<1x80x16xf32, #tpu.memory_space<vmem>>
        %dma_start3A_303 = tpu.memref_squeeze %dma_start3A_302 : memref<1x80x16xf32, #tpu.memory_space<vmem>> -> memref<80x16xf32, #tpu.memory_space<vmem>>
        %dma_start3A_304 = arith.constant 0 : i32
        %dma_start3A_305 = tpu.memref_slice %arg9[%dma_start3A_298, %dma_start3A_304] : memref<2x80xi32, #tpu.memory_space<vmem>> -> memref<1x80xi32, #tpu.memory_space<vmem>>
        %dma_start3A_306 = tpu.memref_squeeze %dma_start3A_305 : memref<1x80xi32, #tpu.memory_space<vmem>> -> memref<80xi32, #tpu.memory_space<vmem>>
        %dma_start3A_307 = arith.constant 0 : i32
        %dma_start3A_308 = arith.constant 0 : i32
        %dma_start3A_309 = tpu.memref_slice %arg3[%dma_start3A_307, %dma_start3A_308] : memref<10048x16xf32, #tpu.memory_space<hbm>> -> memref<10048x16xf32, #tpu.memory_space<hbm>>
        tpu.enqueue_indirect_dma source(%dma_start3A_309 : memref<10048x16xf32, #tpu.memory_space<hbm>>) target(%dma_start3A_303 : memref<80x16xf32, #tpu.memory_space<vmem>>) offsets(%dma_start3A_306 : memref<80xi32, #tpu.memory_space<vmem>>) semaphore(%arg14 : memref<!tpu.dma_semaphore, #tpu.memory_space<semaphore_mem>>)
      } else {
      }
      %run_scoped3A_200 = arith.constant 0 : i32
      %run_scoped3A_201 = arith.constant 0 : i32
      "tpu.region"() ({
        %run_scoped3A_257 = tpu.sem_alloc : memref<!tpu.dma_semaphore, #tpu.memory_space<semaphore_mem>>
        %dma_start3A_258 = arith.constant 0 : i32
        %dma_start3A_259 = arith.constant 0 : i32
        %dma_start3A_260 = tpu.memref_slice %arg10[%run_scoped3A_200, %dma_start3A_258, %dma_start3A_259] : memref<2x80x128xf32, #tpu.memory_space<vmem>> -> memref<1x80x128xf32, #tpu.memory_space<vmem>>
        %dma_start3A_261 = tpu.memref_squeeze %dma_start3A_260 : memref<1x80x128xf32, #tpu.memory_space<vmem>> -> memref<80x128xf32, #tpu.memory_space<vmem>>
        %dma_start3A_262 = arith.constant 0 : i32
        %dma_start3A_263 = tpu.memref_slice %arg9[%run_scoped3A_201, %dma_start3A_262] : memref<2x80xi32, #tpu.memory_space<vmem>> -> memref<1x80xi32, #tpu.memory_space<vmem>>
        %dma_start3A_264 = tpu.memref_squeeze %dma_start3A_263 : memref<1x80xi32, #tpu.memory_space<vmem>> -> memref<80xi32, #tpu.memory_space<vmem>>
        %dma_start3A_265 = arith.constant 0 : i32
        %dma_start3A_266 = arith.constant 0 : i32
        %dma_start3A_267 = tpu.memref_slice %arg17[%dma_start3A_265, %dma_start3A_266] : memref<10048x128xf32, #tpu.memory_space<vmem_shared>> -> memref<10048x128xf32, #tpu.memory_space<vmem_shared>>
        tpu.enqueue_indirect_dma source(%dma_start3A_261 : memref<80x128xf32, #tpu.memory_space<vmem>>) target(%dma_start3A_267 : memref<10048x128xf32, #tpu.memory_space<vmem_shared>>) offsets(%dma_start3A_264 : memref<80xi32, #tpu.memory_space<vmem>>) semaphore(%run_scoped3A_257 : memref<!tpu.dma_semaphore, #tpu.memory_space<semaphore_mem>>) {add = true}
        %dma_wait3A_268 = arith.constant 0 : i32
        %dma_wait3A_269 = arith.constant 0 : i32
        %dma_wait3A_270 = tpu.memref_slice %arg10[%run_scoped3A_200, %dma_wait3A_268, %dma_wait3A_269] : memref<2x80x128xf32, #tpu.memory_space<vmem>> -> memref<1x80x128xf32, #tpu.memory_space<vmem>>
        %dma_wait3A_271 = tpu.memref_squeeze %dma_wait3A_270 : memref<1x80x128xf32, #tpu.memory_space<vmem>> -> memref<80x128xf32, #tpu.memory_space<vmem>>
        %dma_wait3A_272 = arith.constant 0 : i32
        %dma_wait3A_273 = tpu.memref_slice %arg9[%run_scoped3A_201, %dma_wait3A_272] : memref<2x80xi32, #tpu.memory_space<vmem>> -> memref<1x80xi32, #tpu.memory_space<vmem>>
        %dma_wait3A_274 = tpu.memref_squeeze %dma_wait3A_273 : memref<1x80xi32, #tpu.memory_space<vmem>> -> memref<80xi32, #tpu.memory_space<vmem>>
        %dma_wait3A_275 = arith.constant 0 : i32
        %dma_wait3A_276 = arith.constant 0 : i32
        %dma_wait3A_277 = tpu.memref_slice %arg17[%dma_wait3A_275, %dma_wait3A_276] : memref<10048x128xf32, #tpu.memory_space<vmem_shared>> -> memref<10048x128xf32, #tpu.memory_space<vmem_shared>>
        tpu.wait_indirect_dma semaphore(%run_scoped3A_257 : memref<!tpu.dma_semaphore, #tpu.memory_space<semaphore_mem>>) src(%dma_wait3A_271 : memref<80x128xf32, #tpu.memory_space<vmem>>) dst(%dma_wait3A_277 : memref<10048x128xf32, #tpu.memory_space<vmem_shared>>)
        tpu.yield
      }) : () -> ()
      %run_scoped3A_202 = arith.constant 0 : i32
      %run_scoped3A_203 = arith.constant 0 : i32
      "tpu.region"() ({
        %run_scoped3A_257 = tpu.sem_alloc : memref<!tpu.dma_semaphore, #tpu.memory_space<semaphore_mem>>
        %dma_start3A_258 = arith.constant 0 : i32
        %dma_start3A_259 = arith.constant 0 : i32
        %dma_start3A_260 = tpu.memref_slice %arg11[%run_scoped3A_202, %dma_start3A_258, %dma_start3A_259] : memref<2x80x16xf32, #tpu.memory_space<vmem>> -> memref<1x80x16xf32, #tpu.memory_space<vmem>>
        %dma_start3A_261 = tpu.memref_squeeze %dma_start3A_260 : memref<1x80x16xf32, #tpu.memory_space<vmem>> -> memref<80x16xf32, #tpu.memory_space<vmem>>
        %dma_start3A_262 = arith.constant 0 : i32
        %dma_start3A_263 = tpu.memref_slice %arg8[%run_scoped3A_203, %dma_start3A_262] : memref<2x80xi32, #tpu.memory_space<vmem>> -> memref<1x80xi32, #tpu.memory_space<vmem>>
        %dma_start3A_264 = tpu.memref_squeeze %dma_start3A_263 : memref<1x80xi32, #tpu.memory_space<vmem>> -> memref<80xi32, #tpu.memory_space<vmem>>
        %dma_start3A_265 = arith.constant 0 : i32
        %dma_start3A_266 = arith.constant 0 : i32
        %dma_start3A_267 = tpu.memref_slice %arg18[%dma_start3A_265, %dma_start3A_266] : memref<10048x16xf32, #tpu.memory_space<vmem_shared>> -> memref<10048x16xf32, #tpu.memory_space<vmem_shared>>
        tpu.enqueue_indirect_dma source(%dma_start3A_261 : memref<80x16xf32, #tpu.memory_space<vmem>>) target(%dma_start3A_267 : memref<10048x16xf32, #tpu.memory_space<vmem_shared>>) offsets(%dma_start3A_264 : memref<80xi32, #tpu.memory_space<vmem>>) semaphore(%run_scoped3A_257 : memref<!tpu.dma_semaphore, #tpu.memory_space<semaphore_mem>>) {add = true}
        %dma_wait3A_268 = arith.constant 0 : i32
        %dma_wait3A_269 = arith.constant 0 : i32
        %dma_wait3A_270 = tpu.memref_slice %arg11[%run_scoped3A_202, %dma_wait3A_268, %dma_wait3A_269] : memref<2x80x16xf32, #tpu.memory_space<vmem>> -> memref<1x80x16xf32, #tpu.memory_space<vmem>>
        %dma_wait3A_271 = tpu.memref_squeeze %dma_wait3A_270 : memref<1x80x16xf32, #tpu.memory_space<vmem>> -> memref<80x16xf32, #tpu.memory_space<vmem>>
        %dma_wait3A_272 = arith.constant 0 : i32
        %dma_wait3A_273 = tpu.memref_slice %arg8[%run_scoped3A_203, %dma_wait3A_272] : memref<2x80xi32, #tpu.memory_space<vmem>> -> memref<1x80xi32, #tpu.memory_space<vmem>>
        %dma_wait3A_274 = tpu.memref_squeeze %dma_wait3A_273 : memref<1x80xi32, #tpu.memory_space<vmem>> -> memref<80xi32, #tpu.memory_space<vmem>>
        %dma_wait3A_275 = arith.constant 0 : i32
        %dma_wait3A_276 = arith.constant 0 : i32
        %dma_wait3A_277 = tpu.memref_slice %arg18[%dma_wait3A_275, %dma_wait3A_276] : memref<10048x16xf32, #tpu.memory_space<vmem_shared>> -> memref<10048x16xf32, #tpu.memory_space<vmem_shared>>
        tpu.wait_indirect_dma semaphore(%run_scoped3A_257 : memref<!tpu.dma_semaphore, #tpu.memory_space<semaphore_mem>>) src(%dma_wait3A_271 : memref<80x16xf32, #tpu.memory_space<vmem>>) dst(%dma_wait3A_277 : memref<10048x16xf32, #tpu.memory_space<vmem_shared>>)
        tpu.yield
      }) : () -> ()
      %run_scoped3A_204 = arith.constant 0 : i32
      "tpu.region"() ({
        %run_scoped3A_257 = tpu.sem_alloc : memref<!tpu.dma_semaphore, #tpu.memory_space<semaphore_mem>>
        %dma_start3A_258 = arith.constant 0 : i32
        %dma_start3A_259 = tpu.memref_slice %arg9[%run_scoped3A_204, %dma_start3A_258] : memref<2x80xi32, #tpu.memory_space<vmem>> -> memref<1x80xi32, #tpu.memory_space<vmem>>
        %dma_start3A_260 = tpu.memref_squeeze %dma_start3A_259 : memref<1x80xi32, #tpu.memory_space<vmem>> -> memref<80xi32, #tpu.memory_space<vmem>>
        %dma_start3A_261 = arith.constant 0 : i32
        %dma_start3A_262 = arith.constant 0 : i32
        %dma_start3A_263 = tpu.memref_slice %arg19[%dma_start3A_261, %dma_start3A_262] : memref<10048x16xf32, #tpu.memory_space<vmem_shared>> -> memref<10048x16xf32, #tpu.memory_space<vmem_shared>>
        tpu.enqueue_indirect_dma source(%arg12 : memref<80x16xf32, #tpu.memory_space<vmem>>) target(%dma_start3A_263 : memref<10048x16xf32, #tpu.memory_space<vmem_shared>>) offsets(%dma_start3A_260 : memref<80xi32, #tpu.memory_space<vmem>>) semaphore(%run_scoped3A_257 : memref<!tpu.dma_semaphore, #tpu.memory_space<semaphore_mem>>) {add = true}
        %dma_wait3A_264 = arith.constant 0 : i32
        %dma_wait3A_265 = tpu.memref_slice %arg9[%run_scoped3A_204, %dma_wait3A_264] : memref<2x80xi32, #tpu.memory_space<vmem>> -> memref<1x80xi32, #tpu.memory_space<vmem>>
        %dma_wait3A_266 = tpu.memref_squeeze %dma_wait3A_265 : memref<1x80xi32, #tpu.memory_space<vmem>> -> memref<80xi32, #tpu.memory_space<vmem>>
        %dma_wait3A_267 = arith.constant 0 : i32
        %dma_wait3A_268 = arith.constant 0 : i32
        %dma_wait3A_269 = tpu.memref_slice %arg19[%dma_wait3A_267, %dma_wait3A_268] : memref<10048x16xf32, #tpu.memory_space<vmem_shared>> -> memref<10048x16xf32, #tpu.memory_space<vmem_shared>>
        tpu.wait_indirect_dma semaphore(%run_scoped3A_257 : memref<!tpu.dma_semaphore, #tpu.memory_space<semaphore_mem>>) src(%arg12 : memref<80x16xf32, #tpu.memory_space<vmem>>) dst(%dma_wait3A_269 : memref<10048x16xf32, #tpu.memory_space<vmem_shared>>)
        tpu.yield
      }) : () -> ()
      %add3A_205 = arith.constant 2 : i32
      %add3A_206 = arith.addi %add3A_171, %add3A_205 : i32
      %lt3A_207 = arith.constant 125 : i32
      %lt3A_208 = arith.cmpi slt, %add3A_206, %lt3A_207 : i32
      %convert_element_type3A_209 = arith.extui %lt3A_208 : i1 to i32
      %cond3A_210 = arith.constant 0 : i32
      %cond3A_211 = arith.cmpi ne, %convert_element_type3A_209, %cond3A_210 : i32
      scf.if %cond3A_211 {
        %add3A_257 = arith.constant 2 : i32
        %add3A_258 = arith.addi %add3A_171, %add3A_257 : i32
        %add3A_259 = arith.addi %mul3A_21, %add3A_258 : i32
        %mul3A_260 = arith.constant 80 : i32
        %mul3A_261 = arith.muli %add3A_259, %mul3A_260 : i32
        %dma_start3A_262 = arith.constant 0 : i32
        %dma_start3A_263 = arith.constant 0 : i32
        %dma_start3A_264 = arith.constant 0 : i32
        %dma_start3A_265 = tpu.memref_slice %arg8[%dma_start3A_263, %dma_start3A_264] : memref<2x80xi32, #tpu.memory_space<vmem>> -> memref<1x80xi32, #tpu.memory_space<vmem>>
        %dma_start3A_266 = tpu.memref_squeeze %dma_start3A_265 : memref<1x80xi32, #tpu.memory_space<vmem>> -> memref<80xi32, #tpu.memory_space<vmem>>
        %dma_start3A_267 = tpu.memref_slice %arg4[%dma_start3A_262, %mul3A_261] : memref<2x320000xi32, #tpu.memory_space<hbm>> -> memref<1x80xi32, #tpu.memory_space<hbm>>
        %dma_start3A_268 = tpu.memref_squeeze %dma_start3A_267 : memref<1x80xi32, #tpu.memory_space<hbm>> -> memref<80xi32, #tpu.memory_space<hbm>>
        %dma_start3A_269 = arith.constant 0 : i32
        %dma_start3A_270 = tpu.memref_slice %arg8[%dma_start3A_263, %dma_start3A_269] : memref<2x80xi32, #tpu.memory_space<vmem>> -> memref<1x80xi32, #tpu.memory_space<vmem>>
        %dma_start3A_271 = tpu.memref_squeeze %dma_start3A_270 : memref<1x80xi32, #tpu.memory_space<vmem>> -> memref<80xi32, #tpu.memory_space<vmem>>
        %dma_start3A_272 = tpu.memref_slice %arg4[%dma_start3A_262, %mul3A_261] : memref<2x320000xi32, #tpu.memory_space<hbm>> -> memref<1x80xi32, #tpu.memory_space<hbm>>
        %dma_start3A_273 = tpu.memref_squeeze %dma_start3A_272 : memref<1x80xi32, #tpu.memory_space<hbm>> -> memref<80xi32, #tpu.memory_space<hbm>>
        tpu.enqueue_dma source(%dma_start3A_273 : memref<80xi32, #tpu.memory_space<hbm>>) target(%dma_start3A_271 : memref<80xi32, #tpu.memory_space<vmem>>) target_semaphore(%arg15 : memref<!tpu.dma_semaphore, #tpu.memory_space<semaphore_mem>>)
        %dma_start3A_274 = arith.constant 1 : i32
        %dma_start3A_275 = arith.constant 0 : i32
        %dma_start3A_276 = arith.constant 0 : i32
        %dma_start3A_277 = tpu.memref_slice %arg9[%dma_start3A_275, %dma_start3A_276] : memref<2x80xi32, #tpu.memory_space<vmem>> -> memref<1x80xi32, #tpu.memory_space<vmem>>
        %dma_start3A_278 = tpu.memref_squeeze %dma_start3A_277 : memref<1x80xi32, #tpu.memory_space<vmem>> -> memref<80xi32, #tpu.memory_space<vmem>>
        %dma_start3A_279 = tpu.memref_slice %arg4[%dma_start3A_274, %mul3A_261] : memref<2x320000xi32, #tpu.memory_space<hbm>> -> memref<1x80xi32, #tpu.memory_space<hbm>>
        %dma_start3A_280 = tpu.memref_squeeze %dma_start3A_279 : memref<1x80xi32, #tpu.memory_space<hbm>> -> memref<80xi32, #tpu.memory_space<hbm>>
        %dma_start3A_281 = arith.constant 0 : i32
        %dma_start3A_282 = tpu.memref_slice %arg9[%dma_start3A_275, %dma_start3A_281] : memref<2x80xi32, #tpu.memory_space<vmem>> -> memref<1x80xi32, #tpu.memory_space<vmem>>
        %dma_start3A_283 = tpu.memref_squeeze %dma_start3A_282 : memref<1x80xi32, #tpu.memory_space<vmem>> -> memref<80xi32, #tpu.memory_space<vmem>>
        %dma_start3A_284 = tpu.memref_slice %arg4[%dma_start3A_274, %mul3A_261] : memref<2x320000xi32, #tpu.memory_space<hbm>> -> memref<1x80xi32, #tpu.memory_space<hbm>>
        %dma_start3A_285 = tpu.memref_squeeze %dma_start3A_284 : memref<1x80xi32, #tpu.memory_space<hbm>> -> memref<80xi32, #tpu.memory_space<hbm>>
        tpu.enqueue_dma source(%dma_start3A_285 : memref<80xi32, #tpu.memory_space<hbm>>) target(%dma_start3A_283 : memref<80xi32, #tpu.memory_space<vmem>>) target_semaphore(%arg15 : memref<!tpu.dma_semaphore, #tpu.memory_space<semaphore_mem>>)
      } else {
      }
      %add3A_212 = arith.constant 1 : i32
      %add3A_213 = arith.addi %add3A_169, %add3A_212 : i32
      %dma_wait3A_214 = arith.constant 1 : i32
      %dma_wait3A_215 = arith.constant 1 : i32
      %dma_wait3A_216 = arith.constant 0 : i32
      %dma_wait3A_217 = arith.constant 0 : i32
      %dma_wait3A_218 = tpu.memref_slice %arg10[%dma_wait3A_215, %dma_wait3A_216, %dma_wait3A_217] : memref<2x80x128xf32, #tpu.memory_space<vmem>> -> memref<1x80x128xf32, #tpu.memory_space<vmem>>
      %dma_wait3A_219 = tpu.memref_squeeze %dma_wait3A_218 : memref<1x80x128xf32, #tpu.memory_space<vmem>> -> memref<80x128xf32, #tpu.memory_space<vmem>>
      %dma_wait3A_220 = arith.constant 0 : i32
      %dma_wait3A_221 = tpu.memref_slice %arg8[%dma_wait3A_214, %dma_wait3A_220] : memref<2x80xi32, #tpu.memory_space<vmem>> -> memref<1x80xi32, #tpu.memory_space<vmem>>
      %dma_wait3A_222 = tpu.memref_squeeze %dma_wait3A_221 : memref<1x80xi32, #tpu.memory_space<vmem>> -> memref<80xi32, #tpu.memory_space<vmem>>
      %dma_wait3A_223 = arith.constant 0 : i32
      %dma_wait3A_224 = arith.constant 0 : i32
      %dma_wait3A_225 = tpu.memref_slice %arg2[%dma_wait3A_223, %dma_wait3A_224] : memref<10000x128xf32, #tpu.memory_space<hbm>> -> memref<10000x128xf32, #tpu.memory_space<hbm>>
      tpu.wait_indirect_dma semaphore(%arg14 : memref<!tpu.dma_semaphore, #tpu.memory_space<semaphore_mem>>) src(%dma_wait3A_225 : memref<10000x128xf32, #tpu.memory_space<hbm>>) dst(%dma_wait3A_219 : memref<80x128xf32, #tpu.memory_space<vmem>>)
      %dma_wait3A_226 = arith.constant 1 : i32
      %dma_wait3A_227 = arith.constant 1 : i32
      %dma_wait3A_228 = arith.constant 0 : i32
      %dma_wait3A_229 = arith.constant 0 : i32
      %dma_wait3A_230 = tpu.memref_slice %arg11[%dma_wait3A_227, %dma_wait3A_228, %dma_wait3A_229] : memref<2x80x16xf32, #tpu.memory_space<vmem>> -> memref<1x80x16xf32, #tpu.memory_space<vmem>>
      %dma_wait3A_231 = tpu.memref_squeeze %dma_wait3A_230 : memref<1x80x16xf32, #tpu.memory_space<vmem>> -> memref<80x16xf32, #tpu.memory_space<vmem>>
      %dma_wait3A_232 = arith.constant 0 : i32
      %dma_wait3A_233 = tpu.memref_slice %arg9[%dma_wait3A_226, %dma_wait3A_232] : memref<2x80xi32, #tpu.memory_space<vmem>> -> memref<1x80xi32, #tpu.memory_space<vmem>>
      %dma_wait3A_234 = tpu.memref_squeeze %dma_wait3A_233 : memref<1x80xi32, #tpu.memory_space<vmem>> -> memref<80xi32, #tpu.memory_space<vmem>>
      %dma_wait3A_235 = arith.constant 0 : i32
      %dma_wait3A_236 = arith.constant 0 : i32
      %dma_wait3A_237 = tpu.memref_slice %arg3[%dma_wait3A_235, %dma_wait3A_236] : memref<10048x16xf32, #tpu.memory_space<hbm>> -> memref<10048x16xf32, #tpu.memory_space<hbm>>
      tpu.wait_indirect_dma semaphore(%arg14 : memref<!tpu.dma_semaphore, #tpu.memory_space<semaphore_mem>>) src(%dma_wait3A_237 : memref<10048x16xf32, #tpu.memory_space<hbm>>) dst(%dma_wait3A_231 : memref<80x16xf32, #tpu.memory_space<vmem>>)
      %add3A_238 = arith.constant 1 : i32
      %add3A_239 = arith.addi %add3A_213, %add3A_238 : i32
      %lt3A_240 = arith.constant 125 : i32
      %lt3A_241 = arith.cmpi slt, %add3A_239, %lt3A_240 : i32
      %convert_element_type3A_242 = arith.extui %lt3A_241 : i1 to i32
      %cond3A_243 = arith.constant 0 : i32
      %cond3A_244 = arith.cmpi ne, %convert_element_type3A_242, %cond3A_243 : i32
      scf.if %cond3A_244 {
        %add3A_257 = arith.constant 1 : i32
        %add3A_258 = arith.addi %add3A_213, %add3A_257 : i32
        %add3A_259 = arith.addi %mul3A_21, %add3A_258 : i32
        %mul3A_260 = arith.constant 80 : i32
        %mul3A_261 = arith.muli %add3A_259, %mul3A_260 : i32
        %dma_wait3A_262 = arith.constant 0 : i32
        %dma_wait3A_263 = arith.constant 0 : i32
        %dma_wait3A_264 = arith.constant 0 : i32
        %dma_wait3A_265 = tpu.memref_slice %arg8[%dma_wait3A_263, %dma_wait3A_264] : memref<2x80xi32, #tpu.memory_space<vmem>> -> memref<1x80xi32, #tpu.memory_space<vmem>>
        %dma_wait3A_266 = tpu.memref_squeeze %dma_wait3A_265 : memref<1x80xi32, #tpu.memory_space<vmem>> -> memref<80xi32, #tpu.memory_space<vmem>>
        %dma_wait3A_267 = tpu.memref_slice %arg4[%dma_wait3A_262, %mul3A_261] : memref<2x320000xi32, #tpu.memory_space<hbm>> -> memref<1x80xi32, #tpu.memory_space<hbm>>
        %dma_wait3A_268 = tpu.memref_squeeze %dma_wait3A_267 : memref<1x80xi32, #tpu.memory_space<hbm>> -> memref<80xi32, #tpu.memory_space<hbm>>
        %dma_wait3A_269 = arith.constant 0 : i32
        %dma_wait3A_270 = tpu.memref_slice %arg8[%dma_wait3A_263, %dma_wait3A_269] : memref<2x80xi32, #tpu.memory_space<vmem>> -> memref<1x80xi32, #tpu.memory_space<vmem>>
        %dma_wait3A_271 = tpu.memref_squeeze %dma_wait3A_270 : memref<1x80xi32, #tpu.memory_space<vmem>> -> memref<80xi32, #tpu.memory_space<vmem>>
        %dma_wait3A_272 = tpu.memref_slice %arg4[%dma_wait3A_262, %mul3A_261] : memref<2x320000xi32, #tpu.memory_space<hbm>> -> memref<1x80xi32, #tpu.memory_space<hbm>>
        %dma_wait3A_273 = tpu.memref_squeeze %dma_wait3A_272 : memref<1x80xi32, #tpu.memory_space<hbm>> -> memref<80xi32, #tpu.memory_space<hbm>>
        tpu.wait_dma2 semaphore(%arg15 : memref<!tpu.dma_semaphore, #tpu.memory_space<semaphore_mem>>) src(%dma_wait3A_273 : memref<80xi32, #tpu.memory_space<hbm>>) dst(%dma_wait3A_271 : memref<80xi32, #tpu.memory_space<vmem>>)
        %dma_wait3A_274 = arith.constant 1 : i32
        %dma_wait3A_275 = arith.constant 0 : i32
        %dma_wait3A_276 = arith.constant 0 : i32
        %dma_wait3A_277 = tpu.memref_slice %arg9[%dma_wait3A_275, %dma_wait3A_276] : memref<2x80xi32, #tpu.memory_space<vmem>> -> memref<1x80xi32, #tpu.memory_space<vmem>>
        %dma_wait3A_278 = tpu.memref_squeeze %dma_wait3A_277 : memref<1x80xi32, #tpu.memory_space<vmem>> -> memref<80xi32, #tpu.memory_space<vmem>>
        %dma_wait3A_279 = tpu.memref_slice %arg4[%dma_wait3A_274, %mul3A_261] : memref<2x320000xi32, #tpu.memory_space<hbm>> -> memref<1x80xi32, #tpu.memory_space<hbm>>
        %dma_wait3A_280 = tpu.memref_squeeze %dma_wait3A_279 : memref<1x80xi32, #tpu.memory_space<hbm>> -> memref<80xi32, #tpu.memory_space<hbm>>
        %dma_wait3A_281 = arith.constant 0 : i32
        %dma_wait3A_282 = tpu.memref_slice %arg9[%dma_wait3A_275, %dma_wait3A_281] : memref<2x80xi32, #tpu.memory_space<vmem>> -> memref<1x80xi32, #tpu.memory_space<vmem>>
        %dma_wait3A_283 = tpu.memref_squeeze %dma_wait3A_282 : memref<1x80xi32, #tpu.memory_space<vmem>> -> memref<80xi32, #tpu.memory_space<vmem>>
        %dma_wait3A_284 = tpu.memref_slice %arg4[%dma_wait3A_274, %mul3A_261] : memref<2x320000xi32, #tpu.memory_space<hbm>> -> memref<1x80xi32, #tpu.memory_space<hbm>>
        %dma_wait3A_285 = tpu.memref_squeeze %dma_wait3A_284 : memref<1x80xi32, #tpu.memory_space<hbm>> -> memref<80xi32, #tpu.memory_space<hbm>>
        tpu.wait_dma2 semaphore(%arg15 : memref<!tpu.dma_semaphore, #tpu.memory_space<semaphore_mem>>) src(%dma_wait3A_285 : memref<80xi32, #tpu.memory_space<hbm>>) dst(%dma_wait3A_283 : memref<80xi32, #tpu.memory_space<vmem>>)
        %dma_start3A_286 = arith.constant 0 : i32
        %dma_start3A_287 = arith.constant 0 : i32
        %dma_start3A_288 = arith.constant 0 : i32
        %dma_start3A_289 = arith.constant 0 : i32
        %dma_start3A_290 = tpu.memref_slice %arg10[%dma_start3A_287, %dma_start3A_288, %dma_start3A_289] : memref<2x80x128xf32, #tpu.memory_space<vmem>> -> memref<1x80x128xf32, #tpu.memory_space<vmem>>
        %dma_start3A_291 = tpu.memref_squeeze %dma_start3A_290 : memref<1x80x128xf32, #tpu.memory_space<vmem>> -> memref<80x128xf32, #tpu.memory_space<vmem>>
        %dma_start3A_292 = arith.constant 0 : i32
        %dma_start3A_293 = tpu.memref_slice %arg8[%dma_start3A_286, %dma_start3A_292] : memref<2x80xi32, #tpu.memory_space<vmem>> -> memref<1x80xi32, #tpu.memory_space<vmem>>
        %dma_start3A_294 = tpu.memref_squeeze %dma_start3A_293 : memref<1x80xi32, #tpu.memory_space<vmem>> -> memref<80xi32, #tpu.memory_space<vmem>>
        %dma_start3A_295 = arith.constant 0 : i32
        %dma_start3A_296 = arith.constant 0 : i32
        %dma_start3A_297 = tpu.memref_slice %arg2[%dma_start3A_295, %dma_start3A_296] : memref<10000x128xf32, #tpu.memory_space<hbm>> -> memref<10000x128xf32, #tpu.memory_space<hbm>>
        tpu.enqueue_indirect_dma source(%dma_start3A_297 : memref<10000x128xf32, #tpu.memory_space<hbm>>) target(%dma_start3A_291 : memref<80x128xf32, #tpu.memory_space<vmem>>) offsets(%dma_start3A_294 : memref<80xi32, #tpu.memory_space<vmem>>) semaphore(%arg13 : memref<!tpu.dma_semaphore, #tpu.memory_space<semaphore_mem>>)
        %dma_start3A_298 = arith.constant 0 : i32
        %dma_start3A_299 = arith.constant 0 : i32
        %dma_start3A_300 = arith.constant 0 : i32
        %dma_start3A_301 = arith.constant 0 : i32
        %dma_start3A_302 = tpu.memref_slice %arg11[%dma_start3A_299, %dma_start3A_300, %dma_start3A_301] : memref<2x80x16xf32, #tpu.memory_space<vmem>> -> memref<1x80x16xf32, #tpu.memory_space<vmem>>
        %dma_start3A_303 = tpu.memref_squeeze %dma_start3A_302 : memref<1x80x16xf32, #tpu.memory_space<vmem>> -> memref<80x16xf32, #tpu.memory_space<vmem>>
        %dma_start3A_304 = arith.constant 0 : i32
        %dma_start3A_305 = tpu.memref_slice %arg9[%dma_start3A_298, %dma_start3A_304] : memref<2x80xi32, #tpu.memory_space<vmem>> -> memref<1x80xi32, #tpu.memory_space<vmem>>
        %dma_start3A_306 = tpu.memref_squeeze %dma_start3A_305 : memref<1x80xi32, #tpu.memory_space<vmem>> -> memref<80xi32, #tpu.memory_space<vmem>>
        %dma_start3A_307 = arith.constant 0 : i32
        %dma_start3A_308 = arith.constant 0 : i32
        %dma_start3A_309 = tpu.memref_slice %arg3[%dma_start3A_307, %dma_start3A_308] : memref<10048x16xf32, #tpu.memory_space<hbm>> -> memref<10048x16xf32, #tpu.memory_space<hbm>>
        tpu.enqueue_indirect_dma source(%dma_start3A_309 : memref<10048x16xf32, #tpu.memory_space<hbm>>) target(%dma_start3A_303 : memref<80x16xf32, #tpu.memory_space<vmem>>) offsets(%dma_start3A_306 : memref<80xi32, #tpu.memory_space<vmem>>) semaphore(%arg13 : memref<!tpu.dma_semaphore, #tpu.memory_space<semaphore_mem>>)
      } else {
      }
      %run_scoped3A_245 = arith.constant 1 : i32
      %run_scoped3A_246 = arith.constant 1 : i32
      "tpu.region"() ({
        %run_scoped3A_257 = tpu.sem_alloc : memref<!tpu.dma_semaphore, #tpu.memory_space<semaphore_mem>>
        %dma_start3A_258 = arith.constant 0 : i32
        %dma_start3A_259 = arith.constant 0 : i32
        %dma_start3A_260 = tpu.memref_slice %arg10[%run_scoped3A_245, %dma_start3A_258, %dma_start3A_259] : memref<2x80x128xf32, #tpu.memory_space<vmem>> -> memref<1x80x128xf32, #tpu.memory_space<vmem>>
        %dma_start3A_261 = tpu.memref_squeeze %dma_start3A_260 : memref<1x80x128xf32, #tpu.memory_space<vmem>> -> memref<80x128xf32, #tpu.memory_space<vmem>>
        %dma_start3A_262 = arith.constant 0 : i32
        %dma_start3A_263 = tpu.memref_slice %arg9[%run_scoped3A_246, %dma_start3A_262] : memref<2x80xi32, #tpu.memory_space<vmem>> -> memref<1x80xi32, #tpu.memory_space<vmem>>
        %dma_start3A_264 = tpu.memref_squeeze %dma_start3A_263 : memref<1x80xi32, #tpu.memory_space<vmem>> -> memref<80xi32, #tpu.memory_space<vmem>>
        %dma_start3A_265 = arith.constant 0 : i32
        %dma_start3A_266 = arith.constant 0 : i32
        %dma_start3A_267 = tpu.memref_slice %arg17[%dma_start3A_265, %dma_start3A_266] : memref<10048x128xf32, #tpu.memory_space<vmem_shared>> -> memref<10048x128xf32, #tpu.memory_space<vmem_shared>>
        tpu.enqueue_indirect_dma source(%dma_start3A_261 : memref<80x128xf32, #tpu.memory_space<vmem>>) target(%dma_start3A_267 : memref<10048x128xf32, #tpu.memory_space<vmem_shared>>) offsets(%dma_start3A_264 : memref<80xi32, #tpu.memory_space<vmem>>) semaphore(%run_scoped3A_257 : memref<!tpu.dma_semaphore, #tpu.memory_space<semaphore_mem>>) {add = true}
        %dma_wait3A_268 = arith.constant 0 : i32
        %dma_wait3A_269 = arith.constant 0 : i32
        %dma_wait3A_270 = tpu.memref_slice %arg10[%run_scoped3A_245, %dma_wait3A_268, %dma_wait3A_269] : memref<2x80x128xf32, #tpu.memory_space<vmem>> -> memref<1x80x128xf32, #tpu.memory_space<vmem>>
        %dma_wait3A_271 = tpu.memref_squeeze %dma_wait3A_270 : memref<1x80x128xf32, #tpu.memory_space<vmem>> -> memref<80x128xf32, #tpu.memory_space<vmem>>
        %dma_wait3A_272 = arith.constant 0 : i32
        %dma_wait3A_273 = tpu.memref_slice %arg9[%run_scoped3A_246, %dma_wait3A_272] : memref<2x80xi32, #tpu.memory_space<vmem>> -> memref<1x80xi32, #tpu.memory_space<vmem>>
        %dma_wait3A_274 = tpu.memref_squeeze %dma_wait3A_273 : memref<1x80xi32, #tpu.memory_space<vmem>> -> memref<80xi32, #tpu.memory_space<vmem>>
        %dma_wait3A_275 = arith.constant 0 : i32
        %dma_wait3A_276 = arith.constant 0 : i32
        %dma_wait3A_277 = tpu.memref_slice %arg17[%dma_wait3A_275, %dma_wait3A_276] : memref<10048x128xf32, #tpu.memory_space<vmem_shared>> -> memref<10048x128xf32, #tpu.memory_space<vmem_shared>>
        tpu.wait_indirect_dma semaphore(%run_scoped3A_257 : memref<!tpu.dma_semaphore, #tpu.memory_space<semaphore_mem>>) src(%dma_wait3A_271 : memref<80x128xf32, #tpu.memory_space<vmem>>) dst(%dma_wait3A_277 : memref<10048x128xf32, #tpu.memory_space<vmem_shared>>)
        tpu.yield
      }) : () -> ()
      %run_scoped3A_247 = arith.constant 1 : i32
      %run_scoped3A_248 = arith.constant 1 : i32
      "tpu.region"() ({
        %run_scoped3A_257 = tpu.sem_alloc : memref<!tpu.dma_semaphore, #tpu.memory_space<semaphore_mem>>
        %dma_start3A_258 = arith.constant 0 : i32
        %dma_start3A_259 = arith.constant 0 : i32
        %dma_start3A_260 = tpu.memref_slice %arg11[%run_scoped3A_247, %dma_start3A_258, %dma_start3A_259] : memref<2x80x16xf32, #tpu.memory_space<vmem>> -> memref<1x80x16xf32, #tpu.memory_space<vmem>>
        %dma_start3A_261 = tpu.memref_squeeze %dma_start3A_260 : memref<1x80x16xf32, #tpu.memory_space<vmem>> -> memref<80x16xf32, #tpu.memory_space<vmem>>
        %dma_start3A_262 = arith.constant 0 : i32
        %dma_start3A_263 = tpu.memref_slice %arg8[%run_scoped3A_248, %dma_start3A_262] : memref<2x80xi32, #tpu.memory_space<vmem>> -> memref<1x80xi32, #tpu.memory_space<vmem>>
        %dma_start3A_264 = tpu.memref_squeeze %dma_start3A_263 : memref<1x80xi32, #tpu.memory_space<vmem>> -> memref<80xi32, #tpu.memory_space<vmem>>
        %dma_start3A_265 = arith.constant 0 : i32
        %dma_start3A_266 = arith.constant 0 : i32
        %dma_start3A_267 = tpu.memref_slice %arg18[%dma_start3A_265, %dma_start3A_266] : memref<10048x16xf32, #tpu.memory_space<vmem_shared>> -> memref<10048x16xf32, #tpu.memory_space<vmem_shared>>
        tpu.enqueue_indirect_dma source(%dma_start3A_261 : memref<80x16xf32, #tpu.memory_space<vmem>>) target(%dma_start3A_267 : memref<10048x16xf32, #tpu.memory_space<vmem_shared>>) offsets(%dma_start3A_264 : memref<80xi32, #tpu.memory_space<vmem>>) semaphore(%run_scoped3A_257 : memref<!tpu.dma_semaphore, #tpu.memory_space<semaphore_mem>>) {add = true}
        %dma_wait3A_268 = arith.constant 0 : i32
        %dma_wait3A_269 = arith.constant 0 : i32
        %dma_wait3A_270 = tpu.memref_slice %arg11[%run_scoped3A_247, %dma_wait3A_268, %dma_wait3A_269] : memref<2x80x16xf32, #tpu.memory_space<vmem>> -> memref<1x80x16xf32, #tpu.memory_space<vmem>>
        %dma_wait3A_271 = tpu.memref_squeeze %dma_wait3A_270 : memref<1x80x16xf32, #tpu.memory_space<vmem>> -> memref<80x16xf32, #tpu.memory_space<vmem>>
        %dma_wait3A_272 = arith.constant 0 : i32
        %dma_wait3A_273 = tpu.memref_slice %arg8[%run_scoped3A_248, %dma_wait3A_272] : memref<2x80xi32, #tpu.memory_space<vmem>> -> memref<1x80xi32, #tpu.memory_space<vmem>>
        %dma_wait3A_274 = tpu.memref_squeeze %dma_wait3A_273 : memref<1x80xi32, #tpu.memory_space<vmem>> -> memref<80xi32, #tpu.memory_space<vmem>>
        %dma_wait3A_275 = arith.constant 0 : i32
        %dma_wait3A_276 = arith.constant 0 : i32
        %dma_wait3A_277 = tpu.memref_slice %arg18[%dma_wait3A_275, %dma_wait3A_276] : memref<10048x16xf32, #tpu.memory_space<vmem_shared>> -> memref<10048x16xf32, #tpu.memory_space<vmem_shared>>
        tpu.wait_indirect_dma semaphore(%run_scoped3A_257 : memref<!tpu.dma_semaphore, #tpu.memory_space<semaphore_mem>>) src(%dma_wait3A_271 : memref<80x16xf32, #tpu.memory_space<vmem>>) dst(%dma_wait3A_277 : memref<10048x16xf32, #tpu.memory_space<vmem_shared>>)
        tpu.yield
      }) : () -> ()
      %run_scoped3A_249 = arith.constant 1 : i32
      "tpu.region"() ({
        %run_scoped3A_257 = tpu.sem_alloc : memref<!tpu.dma_semaphore, #tpu.memory_space<semaphore_mem>>
        %dma_start3A_258 = arith.constant 0 : i32
        %dma_start3A_259 = tpu.memref_slice %arg9[%run_scoped3A_249, %dma_start3A_258] : memref<2x80xi32, #tpu.memory_space<vmem>> -> memref<1x80xi32, #tpu.memory_space<vmem>>
        %dma_start3A_260 = tpu.memref_squeeze %dma_start3A_259 : memref<1x80xi32, #tpu.memory_space<vmem>> -> memref<80xi32, #tpu.memory_space<vmem>>
        %dma_start3A_261 = arith.constant 0 : i32
        %dma_start3A_262 = arith.constant 0 : i32
        %dma_start3A_263 = tpu.memref_slice %arg19[%dma_start3A_261, %dma_start3A_262] : memref<10048x16xf32, #tpu.memory_space<vmem_shared>> -> memref<10048x16xf32, #tpu.memory_space<vmem_shared>>
        tpu.enqueue_indirect_dma source(%arg12 : memref<80x16xf32, #tpu.memory_space<vmem>>) target(%dma_start3A_263 : memref<10048x16xf32, #tpu.memory_space<vmem_shared>>) offsets(%dma_start3A_260 : memref<80xi32, #tpu.memory_space<vmem>>) semaphore(%run_scoped3A_257 : memref<!tpu.dma_semaphore, #tpu.memory_space<semaphore_mem>>) {add = true}
        %dma_wait3A_264 = arith.constant 0 : i32
        %dma_wait3A_265 = tpu.memref_slice %arg9[%run_scoped3A_249, %dma_wait3A_264] : memref<2x80xi32, #tpu.memory_space<vmem>> -> memref<1x80xi32, #tpu.memory_space<vmem>>
        %dma_wait3A_266 = tpu.memref_squeeze %dma_wait3A_265 : memref<1x80xi32, #tpu.memory_space<vmem>> -> memref<80xi32, #tpu.memory_space<vmem>>
        %dma_wait3A_267 = arith.constant 0 : i32
        %dma_wait3A_268 = arith.constant 0 : i32
        %dma_wait3A_269 = tpu.memref_slice %arg19[%dma_wait3A_267, %dma_wait3A_268] : memref<10048x16xf32, #tpu.memory_space<vmem_shared>> -> memref<10048x16xf32, #tpu.memory_space<vmem_shared>>
        tpu.wait_indirect_dma semaphore(%run_scoped3A_257 : memref<!tpu.dma_semaphore, #tpu.memory_space<semaphore_mem>>) src(%arg12 : memref<80x16xf32, #tpu.memory_space<vmem>>) dst(%dma_wait3A_269 : memref<10048x16xf32, #tpu.memory_space<vmem_shared>>)
        tpu.yield
      }) : () -> ()
      %add3A_250 = arith.constant 2 : i32
      %add3A_251 = arith.addi %add3A_213, %add3A_250 : i32
      %lt3A_252 = arith.constant 125 : i32
      %lt3A_253 = arith.cmpi slt, %add3A_251, %lt3A_252 : i32
      %convert_element_type3A_254 = arith.extui %lt3A_253 : i1 to i32
      %cond3A_255 = arith.constant 0 : i32
      %cond3A_256 = arith.cmpi ne, %convert_element_type3A_254, %cond3A_255 : i32
      scf.if %cond3A_256 {
        %add3A_257 = arith.constant 2 : i32
        %add3A_258 = arith.addi %add3A_213, %add3A_257 : i32
        %add3A_259 = arith.addi %mul3A_21, %add3A_258 : i32
        %mul3A_260 = arith.constant 80 : i32
        %mul3A_261 = arith.muli %add3A_259, %mul3A_260 : i32
        %dma_start3A_262 = arith.constant 0 : i32
        %dma_start3A_263 = arith.constant 1 : i32
        %dma_start3A_264 = arith.constant 0 : i32
        %dma_start3A_265 = tpu.memref_slice %arg8[%dma_start3A_263, %dma_start3A_264] : memref<2x80xi32, #tpu.memory_space<vmem>> -> memref<1x80xi32, #tpu.memory_space<vmem>>
        %dma_start3A_266 = tpu.memref_squeeze %dma_start3A_265 : memref<1x80xi32, #tpu.memory_space<vmem>> -> memref<80xi32, #tpu.memory_space<vmem>>
        %dma_start3A_267 = tpu.memref_slice %arg4[%dma_start3A_262, %mul3A_261] : memref<2x320000xi32, #tpu.memory_space<hbm>> -> memref<1x80xi32, #tpu.memory_space<hbm>>
        %dma_start3A_268 = tpu.memref_squeeze %dma_start3A_267 : memref<1x80xi32, #tpu.memory_space<hbm>> -> memref<80xi32, #tpu.memory_space<hbm>>
        %dma_start3A_269 = arith.constant 0 : i32
        %dma_start3A_270 = tpu.memref_slice %arg8[%dma_start3A_263, %dma_start3A_269] : memref<2x80xi32, #tpu.memory_space<vmem>> -> memref<1x80xi32, #tpu.memory_space<vmem>>
        %dma_start3A_271 = tpu.memref_squeeze %dma_start3A_270 : memref<1x80xi32, #tpu.memory_space<vmem>> -> memref<80xi32, #tpu.memory_space<vmem>>
        %dma_start3A_272 = tpu.memref_slice %arg4[%dma_start3A_262, %mul3A_261] : memref<2x320000xi32, #tpu.memory_space<hbm>> -> memref<1x80xi32, #tpu.memory_space<hbm>>
        %dma_start3A_273 = tpu.memref_squeeze %dma_start3A_272 : memref<1x80xi32, #tpu.memory_space<hbm>> -> memref<80xi32, #tpu.memory_space<hbm>>
        tpu.enqueue_dma source(%dma_start3A_273 : memref<80xi32, #tpu.memory_space<hbm>>) target(%dma_start3A_271 : memref<80xi32, #tpu.memory_space<vmem>>) target_semaphore(%arg16 : memref<!tpu.dma_semaphore, #tpu.memory_space<semaphore_mem>>)
        %dma_start3A_274 = arith.constant 1 : i32
        %dma_start3A_275 = arith.constant 1 : i32
        %dma_start3A_276 = arith.constant 0 : i32
        %dma_start3A_277 = tpu.memref_slice %arg9[%dma_start3A_275, %dma_start3A_276] : memref<2x80xi32, #tpu.memory_space<vmem>> -> memref<1x80xi32, #tpu.memory_space<vmem>>
        %dma_start3A_278 = tpu.memref_squeeze %dma_start3A_277 : memref<1x80xi32, #tpu.memory_space<vmem>> -> memref<80xi32, #tpu.memory_space<vmem>>
        %dma_start3A_279 = tpu.memref_slice %arg4[%dma_start3A_274, %mul3A_261] : memref<2x320000xi32, #tpu.memory_space<hbm>> -> memref<1x80xi32, #tpu.memory_space<hbm>>
        %dma_start3A_280 = tpu.memref_squeeze %dma_start3A_279 : memref<1x80xi32, #tpu.memory_space<hbm>> -> memref<80xi32, #tpu.memory_space<hbm>>
        %dma_start3A_281 = arith.constant 0 : i32
        %dma_start3A_282 = tpu.memref_slice %arg9[%dma_start3A_275, %dma_start3A_281] : memref<2x80xi32, #tpu.memory_space<vmem>> -> memref<1x80xi32, #tpu.memory_space<vmem>>
        %dma_start3A_283 = tpu.memref_squeeze %dma_start3A_282 : memref<1x80xi32, #tpu.memory_space<vmem>> -> memref<80xi32, #tpu.memory_space<vmem>>
        %dma_start3A_284 = tpu.memref_slice %arg4[%dma_start3A_274, %mul3A_261] : memref<2x320000xi32, #tpu.memory_space<hbm>> -> memref<1x80xi32, #tpu.memory_space<hbm>>
        %dma_start3A_285 = tpu.memref_squeeze %dma_start3A_284 : memref<1x80xi32, #tpu.memory_space<hbm>> -> memref<80xi32, #tpu.memory_space<hbm>>
        tpu.enqueue_dma source(%dma_start3A_285 : memref<80xi32, #tpu.memory_space<hbm>>) target(%dma_start3A_283 : memref<80xi32, #tpu.memory_space<vmem>>) target_semaphore(%arg16 : memref<!tpu.dma_semaphore, #tpu.memory_space<semaphore_mem>>)
      } else {
      }
    }
    %scan3A_132 = arith.constant 62 : i32
    %dma_wait3A_133 = arith.constant 0 : i32
    %dma_wait3A_134 = arith.constant 0 : i32
    %dma_wait3A_135 = arith.constant 0 : i32
    %dma_wait3A_136 = arith.constant 0 : i32
    %dma_wait3A_137 = tpu.memref_slice %arg10[%dma_wait3A_134, %dma_wait3A_135, %dma_wait3A_136] : memref<2x80x128xf32, #tpu.memory_space<vmem>> -> memref<1x80x128xf32, #tpu.memory_space<vmem>>
    %dma_wait3A_138 = tpu.memref_squeeze %dma_wait3A_137 : memref<1x80x128xf32, #tpu.memory_space<vmem>> -> memref<80x128xf32, #tpu.memory_space<vmem>>
    %dma_wait3A_139 = arith.constant 0 : i32
    %dma_wait3A_140 = tpu.memref_slice %arg8[%dma_wait3A_133, %dma_wait3A_139] : memref<2x80xi32, #tpu.memory_space<vmem>> -> memref<1x80xi32, #tpu.memory_space<vmem>>
    %dma_wait3A_141 = tpu.memref_squeeze %dma_wait3A_140 : memref<1x80xi32, #tpu.memory_space<vmem>> -> memref<80xi32, #tpu.memory_space<vmem>>
    %dma_wait3A_142 = arith.constant 0 : i32
    %dma_wait3A_143 = arith.constant 0 : i32
    %dma_wait3A_144 = tpu.memref_slice %arg2[%dma_wait3A_142, %dma_wait3A_143] : memref<10000x128xf32, #tpu.memory_space<hbm>> -> memref<10000x128xf32, #tpu.memory_space<hbm>>
    tpu.wait_indirect_dma semaphore(%arg13 : memref<!tpu.dma_semaphore, #tpu.memory_space<semaphore_mem>>) src(%dma_wait3A_144 : memref<10000x128xf32, #tpu.memory_space<hbm>>) dst(%dma_wait3A_138 : memref<80x128xf32, #tpu.memory_space<vmem>>)
    %dma_wait3A_145 = arith.constant 0 : i32
    %dma_wait3A_146 = arith.constant 0 : i32
    %dma_wait3A_147 = arith.constant 0 : i32
    %dma_wait3A_148 = arith.constant 0 : i32
    %dma_wait3A_149 = tpu.memref_slice %arg11[%dma_wait3A_146, %dma_wait3A_147, %dma_wait3A_148] : memref<2x80x16xf32, #tpu.memory_space<vmem>> -> memref<1x80x16xf32, #tpu.memory_space<vmem>>
    %dma_wait3A_150 = tpu.memref_squeeze %dma_wait3A_149 : memref<1x80x16xf32, #tpu.memory_space<vmem>> -> memref<80x16xf32, #tpu.memory_space<vmem>>
    %dma_wait3A_151 = arith.constant 0 : i32
    %dma_wait3A_152 = tpu.memref_slice %arg9[%dma_wait3A_145, %dma_wait3A_151] : memref<2x80xi32, #tpu.memory_space<vmem>> -> memref<1x80xi32, #tpu.memory_space<vmem>>
    %dma_wait3A_153 = tpu.memref_squeeze %dma_wait3A_152 : memref<1x80xi32, #tpu.memory_space<vmem>> -> memref<80xi32, #tpu.memory_space<vmem>>
    %dma_wait3A_154 = arith.constant 0 : i32
    %dma_wait3A_155 = arith.constant 0 : i32
    %dma_wait3A_156 = tpu.memref_slice %arg3[%dma_wait3A_154, %dma_wait3A_155] : memref<10048x16xf32, #tpu.memory_space<hbm>> -> memref<10048x16xf32, #tpu.memory_space<hbm>>
    tpu.wait_indirect_dma semaphore(%arg13 : memref<!tpu.dma_semaphore, #tpu.memory_space<semaphore_mem>>) src(%dma_wait3A_156 : memref<10048x16xf32, #tpu.memory_space<hbm>>) dst(%dma_wait3A_150 : memref<80x16xf32, #tpu.memory_space<vmem>>)
    %run_scoped3A_157 = arith.constant 0 : i32
    %run_scoped3A_158 = arith.constant 0 : i32
    "tpu.region"() ({
      %run_scoped3A_165 = tpu.sem_alloc : memref<!tpu.dma_semaphore, #tpu.memory_space<semaphore_mem>>
      %dma_start3A_166 = arith.constant 0 : i32
      %dma_start3A_167 = arith.constant 0 : i32
      %dma_start3A_168 = tpu.memref_slice %arg10[%run_scoped3A_157, %dma_start3A_166, %dma_start3A_167] : memref<2x80x128xf32, #tpu.memory_space<vmem>> -> memref<1x80x128xf32, #tpu.memory_space<vmem>>
      %dma_start3A_169 = tpu.memref_squeeze %dma_start3A_168 : memref<1x80x128xf32, #tpu.memory_space<vmem>> -> memref<80x128xf32, #tpu.memory_space<vmem>>
      %dma_start3A_170 = arith.constant 0 : i32
      %dma_start3A_171 = tpu.memref_slice %arg9[%run_scoped3A_158, %dma_start3A_170] : memref<2x80xi32, #tpu.memory_space<vmem>> -> memref<1x80xi32, #tpu.memory_space<vmem>>
      %dma_start3A_172 = tpu.memref_squeeze %dma_start3A_171 : memref<1x80xi32, #tpu.memory_space<vmem>> -> memref<80xi32, #tpu.memory_space<vmem>>
      %dma_start3A_173 = arith.constant 0 : i32
      %dma_start3A_174 = arith.constant 0 : i32
      %dma_start3A_175 = tpu.memref_slice %arg17[%dma_start3A_173, %dma_start3A_174] : memref<10048x128xf32, #tpu.memory_space<vmem_shared>> -> memref<10048x128xf32, #tpu.memory_space<vmem_shared>>
      tpu.enqueue_indirect_dma source(%dma_start3A_169 : memref<80x128xf32, #tpu.memory_space<vmem>>) target(%dma_start3A_175 : memref<10048x128xf32, #tpu.memory_space<vmem_shared>>) offsets(%dma_start3A_172 : memref<80xi32, #tpu.memory_space<vmem>>) semaphore(%run_scoped3A_165 : memref<!tpu.dma_semaphore, #tpu.memory_space<semaphore_mem>>) {add = true}
      %dma_wait3A_176 = arith.constant 0 : i32
      %dma_wait3A_177 = arith.constant 0 : i32
      %dma_wait3A_178 = tpu.memref_slice %arg10[%run_scoped3A_157, %dma_wait3A_176, %dma_wait3A_177] : memref<2x80x128xf32, #tpu.memory_space<vmem>> -> memref<1x80x128xf32, #tpu.memory_space<vmem>>
      %dma_wait3A_179 = tpu.memref_squeeze %dma_wait3A_178 : memref<1x80x128xf32, #tpu.memory_space<vmem>> -> memref<80x128xf32, #tpu.memory_space<vmem>>
      %dma_wait3A_180 = arith.constant 0 : i32
      %dma_wait3A_181 = tpu.memref_slice %arg9[%run_scoped3A_158, %dma_wait3A_180] : memref<2x80xi32, #tpu.memory_space<vmem>> -> memref<1x80xi32, #tpu.memory_space<vmem>>
      %dma_wait3A_182 = tpu.memref_squeeze %dma_wait3A_181 : memref<1x80xi32, #tpu.memory_space<vmem>> -> memref<80xi32, #tpu.memory_space<vmem>>
      %dma_wait3A_183 = arith.constant 0 : i32
      %dma_wait3A_184 = arith.constant 0 : i32
      %dma_wait3A_185 = tpu.memref_slice %arg17[%dma_wait3A_183, %dma_wait3A_184] : memref<10048x128xf32, #tpu.memory_space<vmem_shared>> -> memref<10048x128xf32, #tpu.memory_space<vmem_shared>>
      tpu.wait_indirect_dma semaphore(%run_scoped3A_165 : memref<!tpu.dma_semaphore, #tpu.memory_space<semaphore_mem>>) src(%dma_wait3A_179 : memref<80x128xf32, #tpu.memory_space<vmem>>) dst(%dma_wait3A_185 : memref<10048x128xf32, #tpu.memory_space<vmem_shared>>)
      tpu.yield
    }) : () -> ()
    %run_scoped3A_159 = arith.constant 0 : i32
    %run_scoped3A_160 = arith.constant 0 : i32
    "tpu.region"() ({
      %run_scoped3A_165 = tpu.sem_alloc : memref<!tpu.dma_semaphore, #tpu.memory_space<semaphore_mem>>
      %dma_start3A_166 = arith.constant 0 : i32
      %dma_start3A_167 = arith.constant 0 : i32
      %dma_start3A_168 = tpu.memref_slice %arg11[%run_scoped3A_159, %dma_start3A_166, %dma_start3A_167] : memref<2x80x16xf32, #tpu.memory_space<vmem>> -> memref<1x80x16xf32, #tpu.memory_space<vmem>>
      %dma_start3A_169 = tpu.memref_squeeze %dma_start3A_168 : memref<1x80x16xf32, #tpu.memory_space<vmem>> -> memref<80x16xf32, #tpu.memory_space<vmem>>
      %dma_start3A_170 = arith.constant 0 : i32
      %dma_start3A_171 = tpu.memref_slice %arg8[%run_scoped3A_160, %dma_start3A_170] : memref<2x80xi32, #tpu.memory_space<vmem>> -> memref<1x80xi32, #tpu.memory_space<vmem>>
      %dma_start3A_172 = tpu.memref_squeeze %dma_start3A_171 : memref<1x80xi32, #tpu.memory_space<vmem>> -> memref<80xi32, #tpu.memory_space<vmem>>
      %dma_start3A_173 = arith.constant 0 : i32
      %dma_start3A_174 = arith.constant 0 : i32
      %dma_start3A_175 = tpu.memref_slice %arg18[%dma_start3A_173, %dma_start3A_174] : memref<10048x16xf32, #tpu.memory_space<vmem_shared>> -> memref<10048x16xf32, #tpu.memory_space<vmem_shared>>
      tpu.enqueue_indirect_dma source(%dma_start3A_169 : memref<80x16xf32, #tpu.memory_space<vmem>>) target(%dma_start3A_175 : memref<10048x16xf32, #tpu.memory_space<vmem_shared>>) offsets(%dma_start3A_172 : memref<80xi32, #tpu.memory_space<vmem>>) semaphore(%run_scoped3A_165 : memref<!tpu.dma_semaphore, #tpu.memory_space<semaphore_mem>>) {add = true}
      %dma_wait3A_176 = arith.constant 0 : i32
      %dma_wait3A_177 = arith.constant 0 : i32
      %dma_wait3A_178 = tpu.memref_slice %arg11[%run_scoped3A_159, %dma_wait3A_176, %dma_wait3A_177] : memref<2x80x16xf32, #tpu.memory_space<vmem>> -> memref<1x80x16xf32, #tpu.memory_space<vmem>>
      %dma_wait3A_179 = tpu.memref_squeeze %dma_wait3A_178 : memref<1x80x16xf32, #tpu.memory_space<vmem>> -> memref<80x16xf32, #tpu.memory_space<vmem>>
      %dma_wait3A_180 = arith.constant 0 : i32
      %dma_wait3A_181 = tpu.memref_slice %arg8[%run_scoped3A_160, %dma_wait3A_180] : memref<2x80xi32, #tpu.memory_space<vmem>> -> memref<1x80xi32, #tpu.memory_space<vmem>>
      %dma_wait3A_182 = tpu.memref_squeeze %dma_wait3A_181 : memref<1x80xi32, #tpu.memory_space<vmem>> -> memref<80xi32, #tpu.memory_space<vmem>>
      %dma_wait3A_183 = arith.constant 0 : i32
      %dma_wait3A_184 = arith.constant 0 : i32
      %dma_wait3A_185 = tpu.memref_slice %arg18[%dma_wait3A_183, %dma_wait3A_184] : memref<10048x16xf32, #tpu.memory_space<vmem_shared>> -> memref<10048x16xf32, #tpu.memory_space<vmem_shared>>
      tpu.wait_indirect_dma semaphore(%run_scoped3A_165 : memref<!tpu.dma_semaphore, #tpu.memory_space<semaphore_mem>>) src(%dma_wait3A_179 : memref<80x16xf32, #tpu.memory_space<vmem>>) dst(%dma_wait3A_185 : memref<10048x16xf32, #tpu.memory_space<vmem_shared>>)
      tpu.yield
    }) : () -> ()
    %run_scoped3A_161 = arith.constant 0 : i32
    "tpu.region"() ({
      %run_scoped3A_165 = tpu.sem_alloc : memref<!tpu.dma_semaphore, #tpu.memory_space<semaphore_mem>>
      %dma_start3A_166 = arith.constant 0 : i32
      %dma_start3A_167 = tpu.memref_slice %arg9[%run_scoped3A_161, %dma_start3A_166] : memref<2x80xi32, #tpu.memory_space<vmem>> -> memref<1x80xi32, #tpu.memory_space<vmem>>
      %dma_start3A_168 = tpu.memref_squeeze %dma_start3A_167 : memref<1x80xi32, #tpu.memory_space<vmem>> -> memref<80xi32, #tpu.memory_space<vmem>>
      %dma_start3A_169 = arith.constant 0 : i32
      %dma_start3A_170 = arith.constant 0 : i32
      %dma_start3A_171 = tpu.memref_slice %arg19[%dma_start3A_169, %dma_start3A_170] : memref<10048x16xf32, #tpu.memory_space<vmem_shared>> -> memref<10048x16xf32, #tpu.memory_space<vmem_shared>>
      tpu.enqueue_indirect_dma source(%arg12 : memref<80x16xf32, #tpu.memory_space<vmem>>) target(%dma_start3A_171 : memref<10048x16xf32, #tpu.memory_space<vmem_shared>>) offsets(%dma_start3A_168 : memref<80xi32, #tpu.memory_space<vmem>>) semaphore(%run_scoped3A_165 : memref<!tpu.dma_semaphore, #tpu.memory_space<semaphore_mem>>) {add = true}
      %dma_wait3A_172 = arith.constant 0 : i32
      %dma_wait3A_173 = tpu.memref_slice %arg9[%run_scoped3A_161, %dma_wait3A_172] : memref<2x80xi32, #tpu.memory_space<vmem>> -> memref<1x80xi32, #tpu.memory_space<vmem>>
      %dma_wait3A_174 = tpu.memref_squeeze %dma_wait3A_173 : memref<1x80xi32, #tpu.memory_space<vmem>> -> memref<80xi32, #tpu.memory_space<vmem>>
      %dma_wait3A_175 = arith.constant 0 : i32
      %dma_wait3A_176 = arith.constant 0 : i32
      %dma_wait3A_177 = tpu.memref_slice %arg19[%dma_wait3A_175, %dma_wait3A_176] : memref<10048x16xf32, #tpu.memory_space<vmem_shared>> -> memref<10048x16xf32, #tpu.memory_space<vmem_shared>>
      tpu.wait_indirect_dma semaphore(%run_scoped3A_165 : memref<!tpu.dma_semaphore, #tpu.memory_space<semaphore_mem>>) src(%arg12 : memref<80x16xf32, #tpu.memory_space<vmem>>) dst(%dma_wait3A_177 : memref<10048x16xf32, #tpu.memory_space<vmem_shared>>)
      tpu.yield
    }) : () -> ()
    %barrier3A_162 = arith.constant 0 : index
    tpu.barrier barrier_id(%barrier3A_162)
    %mul3A_163 = arith.constant 628 : i32
    %mul3A_164 = arith.muli %arg1, %mul3A_163 : i32
    "tpu.region"() ({
      %run_scoped3A_165 = tpu.sem_alloc : memref<!tpu.dma_semaphore, #tpu.memory_space<semaphore_mem>>
      %dma_start3A_166 = arith.constant 0 : i32
      %dma_start3A_167 = tpu.memref_slice %arg5[%arg0, %mul3A_164, %dma_start3A_166] : memref<2x10048x128xf32, #tpu.memory_space<hbm>> -> memref<1x628x128xf32, #tpu.memory_space<hbm>>
      %dma_start3A_168 = tpu.memref_squeeze %dma_start3A_167 : memref<1x628x128xf32, #tpu.memory_space<hbm>> -> memref<628x128xf32, #tpu.memory_space<hbm>>
      %dma_start3A_169 = arith.constant 0 : i32
      %dma_start3A_170 = tpu.memref_slice %arg17[%mul3A_164, %dma_start3A_169] : memref<10048x128xf32, #tpu.memory_space<vmem_shared>> -> memref<628x128xf32, #tpu.memory_space<vmem_shared>>
      tpu.enqueue_dma source(%dma_start3A_170 : memref<628x128xf32, #tpu.memory_space<vmem_shared>>) target(%dma_start3A_168 : memref<628x128xf32, #tpu.memory_space<hbm>>) target_semaphore(%run_scoped3A_165 : memref<!tpu.dma_semaphore, #tpu.memory_space<semaphore_mem>>)
      %dma_wait3A_171 = arith.constant 0 : i32
      %dma_wait3A_172 = tpu.memref_slice %arg5[%arg0, %mul3A_164, %dma_wait3A_171] : memref<2x10048x128xf32, #tpu.memory_space<hbm>> -> memref<1x628x128xf32, #tpu.memory_space<hbm>>
      %dma_wait3A_173 = tpu.memref_squeeze %dma_wait3A_172 : memref<1x628x128xf32, #tpu.memory_space<hbm>> -> memref<628x128xf32, #tpu.memory_space<hbm>>
      %dma_wait3A_174 = arith.constant 0 : i32
      %dma_wait3A_175 = tpu.memref_slice %arg17[%mul3A_164, %dma_wait3A_174] : memref<10048x128xf32, #tpu.memory_space<vmem_shared>> -> memref<628x128xf32, #tpu.memory_space<vmem_shared>>
      tpu.wait_dma2 semaphore(%run_scoped3A_165 : memref<!tpu.dma_semaphore, #tpu.memory_space<semaphore_mem>>) src(%dma_wait3A_175 : memref<628x128xf32, #tpu.memory_space<vmem_shared>>) dst(%dma_wait3A_173 : memref<628x128xf32, #tpu.memory_space<hbm>>)
      tpu.yield
    }) : () -> ()
    "tpu.region"() ({
      %run_scoped3A_165 = tpu.sem_alloc : memref<!tpu.dma_semaphore, #tpu.memory_space<semaphore_mem>>
      %dma_start3A_166 = arith.constant 0 : i32
      %dma_start3A_167 = tpu.memref_slice %arg6[%arg0, %mul3A_164, %dma_start3A_166] : memref<2x10048x16xf32, #tpu.memory_space<hbm>> -> memref<1x628x16xf32, #tpu.memory_space<hbm>>
      %dma_start3A_168 = tpu.memref_squeeze %dma_start3A_167 : memref<1x628x16xf32, #tpu.memory_space<hbm>> -> memref<628x16xf32, #tpu.memory_space<hbm>>
      %dma_start3A_169 = arith.constant 0 : i32
      %dma_start3A_170 = tpu.memref_slice %arg18[%mul3A_164, %dma_start3A_169] : memref<10048x16xf32, #tpu.memory_space<vmem_shared>> -> memref<628x16xf32, #tpu.memory_space<vmem_shared>>
      tpu.enqueue_dma source(%dma_start3A_170 : memref<628x16xf32, #tpu.memory_space<vmem_shared>>) target(%dma_start3A_168 : memref<628x16xf32, #tpu.memory_space<hbm>>) target_semaphore(%run_scoped3A_165 : memref<!tpu.dma_semaphore, #tpu.memory_space<semaphore_mem>>)
      %dma_wait3A_171 = arith.constant 0 : i32
      %dma_wait3A_172 = tpu.memref_slice %arg6[%arg0, %mul3A_164, %dma_wait3A_171] : memref<2x10048x16xf32, #tpu.memory_space<hbm>> -> memref<1x628x16xf32, #tpu.memory_space<hbm>>
      %dma_wait3A_173 = tpu.memref_squeeze %dma_wait3A_172 : memref<1x628x16xf32, #tpu.memory_space<hbm>> -> memref<628x16xf32, #tpu.memory_space<hbm>>
      %dma_wait3A_174 = arith.constant 0 : i32
      %dma_wait3A_175 = tpu.memref_slice %arg18[%mul3A_164, %dma_wait3A_174] : memref<10048x16xf32, #tpu.memory_space<vmem_shared>> -> memref<628x16xf32, #tpu.memory_space<vmem_shared>>
      tpu.wait_dma2 semaphore(%run_scoped3A_165 : memref<!tpu.dma_semaphore, #tpu.memory_space<semaphore_mem>>) src(%dma_wait3A_175 : memref<628x16xf32, #tpu.memory_space<vmem_shared>>) dst(%dma_wait3A_173 : memref<628x16xf32, #tpu.memory_space<hbm>>)
      tpu.yield
    }) : () -> ()
    "tpu.region"() ({
      %run_scoped3A_165 = tpu.sem_alloc : memref<!tpu.dma_semaphore, #tpu.memory_space<semaphore_mem>>
      %dma_start3A_166 = arith.constant 0 : i32
      %dma_start3A_167 = tpu.memref_slice %arg7[%arg0, %mul3A_164, %dma_start3A_166] : memref<2x10048x16xf32, #tpu.memory_space<hbm>> -> memref<1x628x16xf32, #tpu.memory_space<hbm>>
      %dma_start3A_168 = tpu.memref_squeeze %dma_start3A_167 : memref<1x628x16xf32, #tpu.memory_space<hbm>> -> memref<628x16xf32, #tpu.memory_space<hbm>>
      %dma_start3A_169 = arith.constant 0 : i32
      %dma_start3A_170 = tpu.memref_slice %arg19[%mul3A_164, %dma_start3A_169] : memref<10048x16xf32, #tpu.memory_space<vmem_shared>> -> memref<628x16xf32, #tpu.memory_space<vmem_shared>>
      tpu.enqueue_dma source(%dma_start3A_170 : memref<628x16xf32, #tpu.memory_space<vmem_shared>>) target(%dma_start3A_168 : memref<628x16xf32, #tpu.memory_space<hbm>>) target_semaphore(%run_scoped3A_165 : memref<!tpu.dma_semaphore, #tpu.memory_space<semaphore_mem>>)
      %dma_wait3A_171 = arith.constant 0 : i32
      %dma_wait3A_172 = tpu.memref_slice %arg7[%arg0, %mul3A_164, %dma_wait3A_171] : memref<2x10048x16xf32, #tpu.memory_space<hbm>> -> memref<1x628x16xf32, #tpu.memory_space<hbm>>
      %dma_wait3A_173 = tpu.memref_squeeze %dma_wait3A_172 : memref<1x628x16xf32, #tpu.memory_space<hbm>> -> memref<628x16xf32, #tpu.memory_space<hbm>>
      %dma_wait3A_174 = arith.constant 0 : i32
      %dma_wait3A_175 = tpu.memref_slice %arg19[%mul3A_164, %dma_wait3A_174] : memref<10048x16xf32, #tpu.memory_space<vmem_shared>> -> memref<628x16xf32, #tpu.memory_space<vmem_shared>>
      tpu.wait_dma2 semaphore(%run_scoped3A_165 : memref<!tpu.dma_semaphore, #tpu.memory_space<semaphore_mem>>) src(%dma_wait3A_175 : memref<628x16xf32, #tpu.memory_space<vmem_shared>>) dst(%dma_wait3A_173 : memref<628x16xf32, #tpu.memory_space<hbm>>)
      tpu.yield
    }) : () -> ()
    return
  }
}

module attributes {stable_mosaic.version = 14 : i64} {
  func.func @_tc_body(%arg0: i32, %arg1: memref<1000x128xf32, #tpu.memory_space<vmem>>, %arg2: memref<1000x16xf32, #tpu.memory_space<vmem>>, %arg3: memref<2x1000x128xf32, #tpu.memory_space<vmem>>, %arg4: memref<2x1000x16xf32, #tpu.memory_space<vmem>>, %arg5: memref<2x1000x16xf32, #tpu.memory_space<vmem>>, %arg6: memref<128x128xf32, #tpu.memory_space<vmem>>, %arg7: memref<1x128xf32, #tpu.memory_space<vmem>>, %arg8: memref<1000x128xf32, #tpu.memory_space<vmem>>) attributes {dimension_semantics = [#tpu.dimension_semantics<arbitrary>], iteration_bounds = array<i64: 10>, scalar_prefetch = 0 : i64, scratch_operands = 0 : i64, tpu.core_type = #tpu.core_type<tc>, window_params = [{transform_indices = @transform_0, window_bounds = array<i64: 1000, 128>}, {transform_indices = @transform_1, window_bounds = array<i64: 1000, 16>}, {transform_indices = @transform_2, window_bounds = array<i64: 2, 1000, 128>}, {transform_indices = @transform_3, window_bounds = array<i64: 2, 1000, 16>}, {transform_indices = @transform_4, window_bounds = array<i64: 2, 1000, 16>}, {pipeline_mode = #tpu.pipeline_mode<synchronous>, transform_indices = @transform_5, window_bounds = array<i64: 128, 128>}, {pipeline_mode = #tpu.pipeline_mode<synchronous>, transform_indices = @transform_6, window_bounds = array<i64: 1, 128>}, {transform_indices = @transform_7, window_bounds = array<i64: 1000, 128>}]} {
    %get3A = arith.constant 0 : index
    %get3A_0 = arith.constant 0 : index
    %get3A_1 = arith.constant 0 : index
    %get3A_2 = vector.load %arg3[%get3A, %get3A_0, %get3A_1] : memref<2x1000x128xf32, #tpu.memory_space<vmem>>, vector<2x1000x128xf32>
    %slice3A = vector.extract_strided_slice %get3A_2 {offsets = [0, 0, 0], sizes = [1, 1000, 128], strides = [1, 1, 1]} : vector<2x1000x128xf32> to vector<1x1000x128xf32>
    %squeeze3A = vector.shape_cast %slice3A : vector<1x1000x128xf32> to vector<1000x128xf32>
    %slice3A_3 = vector.extract_strided_slice %get3A_2 {offsets = [1, 0, 0], sizes = [1, 1000, 128], strides = [1, 1, 1]} : vector<2x1000x128xf32> to vector<1x1000x128xf32>
    %squeeze3A_4 = vector.shape_cast %slice3A_3 : vector<1x1000x128xf32> to vector<1000x128xf32>
    %add3A = arith.addf %squeeze3A, %squeeze3A_4 : vector<1000x128xf32>
    %get3A_5 = arith.constant 0 : index
    %get3A_6 = arith.constant 0 : index
    %get3A_7 = arith.constant 0 : index
    %get3A_8 = vector.load %arg5[%get3A_5, %get3A_6, %get3A_7] : memref<2x1000x16xf32, #tpu.memory_space<vmem>>, vector<2x1000x16xf32>
    %slice3A_9 = vector.extract_strided_slice %get3A_8 {offsets = [0, 0, 3], sizes = [1, 1000, 1], strides = [1, 1, 1]} : vector<2x1000x16xf32> to vector<1x1000x1xf32>
    %squeeze3A_10 = vector.shape_cast %slice3A_9 : vector<1x1000x1xf32> to vector<1000x1xf32>
    %slice3A_11 = vector.extract_strided_slice %get3A_8 {offsets = [1, 0, 3], sizes = [1, 1000, 1], strides = [1, 1, 1]} : vector<2x1000x16xf32> to vector<1x1000x1xf32>
    %squeeze3A_12 = vector.shape_cast %slice3A_11 : vector<1x1000x1xf32> to vector<1000x1xf32>
    %add3A_13 = arith.addf %squeeze3A_10, %squeeze3A_12 : vector<1000x1xf32>
    %max3A = arith.constant 1.000000e+00 : f32
    %max3A_14 = vector.broadcast %max3A : f32 to vector<1000x1xf32>
    %max3A_15 = arith.maximumf %add3A_13, %max3A_14 : vector<1000x1xf32>
    %get3A_16 = arith.constant 0 : index
    %get3A_17 = arith.constant 0 : index
    %get3A_18 = arith.constant 0 : index
    %get3A_19 = vector.load %arg4[%get3A_16, %get3A_17, %get3A_18] : memref<2x1000x16xf32, #tpu.memory_space<vmem>>, vector<2x1000x16xf32>
    %slice3A_20 = vector.extract_strided_slice %get3A_19 {offsets = [0, 0, 0], sizes = [1, 1000, 16], strides = [1, 1, 1]} : vector<2x1000x16xf32> to vector<1x1000x16xf32>
    %squeeze3A_21 = vector.shape_cast %slice3A_20 : vector<1x1000x16xf32> to vector<1000x16xf32>
    %slice3A_22 = vector.extract_strided_slice %get3A_19 {offsets = [1, 0, 0], sizes = [1, 1000, 16], strides = [1, 1, 1]} : vector<2x1000x16xf32> to vector<1x1000x16xf32>
    %squeeze3A_23 = vector.shape_cast %slice3A_22 : vector<1x1000x16xf32> to vector<1000x16xf32>
    %add3A_24 = arith.addf %squeeze3A_21, %squeeze3A_23 : vector<1000x16xf32>
    %slice3A_25 = vector.extract_strided_slice %add3A_24 {offsets = [0, 3], sizes = [1000, 1], strides = [1, 1]} : vector<1000x16xf32> to vector<1000x1xf32>
    %max3A_26 = arith.constant 1.000000e+00 : f32
    %max3A_27 = vector.broadcast %max3A_26 : f32 to vector<1000x1xf32>
    %max3A_28 = arith.maximumf %slice3A_25, %max3A_27 : vector<1000x1xf32>
    %get3A_29 = arith.constant 0 : index
    %get3A_30 = arith.constant 0 : index
    %get3A_31 = vector.load %arg2[%get3A_29, %get3A_30] : memref<1000x16xf32, #tpu.memory_space<vmem>>, vector<1000x16xf32>
    %div3A = vector.broadcast %max3A_28 : vector<1000x1xf32> to vector<1000x16xf32>
    %div3A_32 = arith.divf %add3A_24, %div3A : vector<1000x16xf32>
    %sub3A = arith.subf %get3A_31, %div3A_32 : vector<1000x16xf32>
    %iota3A = tpu.iota {dimensions = array<i32: 1>} : vector<1000x16xi32>
    %lt3A = arith.constant 3 : i32
    %lt3A_33 = vector.broadcast %lt3A : i32 to vector<1000x16xi32>
    %lt3A_34 = arith.cmpi slt, %iota3A, %lt3A_33 : vector<1000x16xi32>
    %jit3A = arith.constant 0.000000e+00 : f32
    %broadcast_in_dim3A = vector.broadcast %jit3A : f32 to vector<1000x16xf32>
    %select_n3A = arith.select %lt3A_34, %sub3A, %broadcast_in_dim3A : vector<1000x16xi1>, vector<1000x16xf32>
    %mul3A = arith.mulf %select_n3A, %select_n3A : vector<1000x16xf32>
    %reduce_sum3A = arith.constant dense<0.000000e+00> : vector<1000xf32>
    %reduce_sum3A_35 = vector.multi_reduction <add>, %mul3A, %reduce_sum3A [1] : vector<1000x16xf32> to vector<1000xf32>
    %broadcast_in_dim3A_36 = vector.shape_cast %reduce_sum3A_35 : vector<1000xf32> to vector<1000x1xf32>
    %sqrt3A = math.sqrt %broadcast_in_dim3A_36 : vector<1000x1xf32>
    %get3A_37 = arith.constant 0 : index
    %get3A_38 = arith.constant 0 : index
    %get3A_39 = vector.load %arg1[%get3A_37, %get3A_38] : memref<1000x128xf32, #tpu.memory_space<vmem>>, vector<1000x128xf32>
    %div3A_40 = vector.broadcast %max3A_15 : vector<1000x1xf32> to vector<1000x128xf32>
    %div3A_41 = arith.divf %add3A, %div3A_40 : vector<1000x128xf32>
    %add3A_42 = arith.addf %get3A_39, %div3A_41 : vector<1000x128xf32>
    %add3A_43 = arith.constant 1.000000e+00 : f32
    %add3A_44 = vector.broadcast %add3A_43 : f32 to vector<1000x1xf32>
    %add3A_45 = arith.addf %add3A_44, %sqrt3A : vector<1000x1xf32>
    %mul3A_46 = vector.broadcast %add3A_45 : vector<1000x1xf32> to vector<1000x128xf32>
    %mul3A_47 = arith.mulf %add3A_42, %mul3A_46 : vector<1000x128xf32>
    %get3A_48 = arith.constant 0 : index
    %get3A_49 = arith.constant 0 : index
    %get3A_50 = vector.load %arg6[%get3A_48, %get3A_49] : memref<128x128xf32, #tpu.memory_space<vmem>>, vector<128x128xf32>
    %dot_general3A = arith.constant dense<0.000000e+00> : vector<1000x128xf32>
    %dot_general3A_51 = tpu.matmul %mul3A_47, %get3A_50, %dot_general3A {dimension_numbers = #tpu.dot_dimension_numbers<[1], [0], [0], [1], [0, 0, 1, 1], [], []>, transpose_lhs_hint = false} : vector<1000x128xf32>, vector<128x128xf32>, vector<1000x128xf32> -> vector<1000x128xf32>
    %get3A_52 = arith.constant 0 : index
    %get3A_53 = arith.constant 0 : index
    %get3A_54 = vector.load %arg7[%get3A_52, %get3A_53] : memref<1x128xf32, #tpu.memory_space<vmem>>, vector<1x128xf32>
    %add3A_55 = vector.broadcast %get3A_54 : vector<1x128xf32> to vector<1000x128xf32>
    %add3A_56 = arith.addf %dot_general3A_51, %add3A_55 : vector<1000x128xf32>
    %swap3A = arith.constant 0 : index
    %swap3A_57 = arith.constant 0 : index
    %swap3A_58 = vector.load %arg8[%swap3A, %swap3A_57] : memref<1000x128xf32, #tpu.memory_space<vmem>>, vector<1000x128xf32>
    tpu.vector_store %arg8[%swap3A, %swap3A_57], %add3A_56 {strides = array<i32>} : memref<1000x128xf32, #tpu.memory_space<vmem>>, vector<1000x128xf32>,
    return
  }
  func.func @transform_0(%arg0: i32) -> (i32, i32) {
    %c0_i32 = arith.constant 0 : i32
    %c0_i32_0 = arith.constant 0 : i32
    return %arg0, %c0_i32 : i32, i32
  }
  func.func @transform_1(%arg0: i32) -> (i32, i32) {
    %c0_i32 = arith.constant 0 : i32
    %c0_i32_0 = arith.constant 0 : i32
    return %arg0, %c0_i32 : i32, i32
  }
  func.func @transform_2(%arg0: i32) -> (i32, i32, i32) {
    %c0_i32 = arith.constant 0 : i32
    %c0_i32_0 = arith.constant 0 : i32
    %c0_i32_1 = arith.constant 0 : i32
    return %c0_i32, %arg0, %c0_i32_0 : i32, i32, i32
  }
  func.func @transform_3(%arg0: i32) -> (i32, i32, i32) {
    %c0_i32 = arith.constant 0 : i32
    %c0_i32_0 = arith.constant 0 : i32
    %c0_i32_1 = arith.constant 0 : i32
    return %c0_i32, %arg0, %c0_i32_0 : i32, i32, i32
  }
  func.func @transform_4(%arg0: i32) -> (i32, i32, i32) {
    %c0_i32 = arith.constant 0 : i32
    %c0_i32_0 = arith.constant 0 : i32
    %c0_i32_1 = arith.constant 0 : i32
    return %c0_i32, %arg0, %c0_i32_0 : i32, i32, i32
  }
  func.func @transform_5(%arg0: i32) -> (i32, i32) {
    %c0_i32 = arith.constant 0 : i32
    %c0_i32_0 = arith.constant 0 : i32
    %c0_i32_1 = arith.constant 0 : i32
    return %c0_i32, %c0_i32_0 : i32, i32
  }
  func.func @transform_6(%arg0: i32) -> (i32, i32) {
    %c0_i32 = arith.constant 0 : i32
    %c0_i32_0 = arith.constant 0 : i32
    %c0_i32_1 = arith.constant 0 : i32
    return %c0_i32, %c0_i32_0 : i32, i32
  }
  func.func @transform_7(%arg0: i32) -> (i32, i32) {
    %c0_i32 = arith.constant 0 : i32
    %c0_i32_0 = arith.constant 0 : i32
    return %arg0, %c0_i32 : i32, i32
  }
}

</mosaic_0001>

<sc_bundles>
// kernel: kernel.4.cloned.1.call-start
scs
__scs_entry_jumppad:
0x0: {  	(pc) =	sbr.rel $0x88, $3  }
0x1: {  	(tag) =	ssettag $0x0;
	lr =	simm.s32 $0x1  }
0x2: {  	[smem:$0x3F9C] =	sst lr;
	_ =	strace $0xD0000000  }
0x3: {  	_ = 	snop  }
0x4: {  	_ = 	snop  }
0x5: {  	_ = 	snop  }
0x6: {  	_ = 	snop  }
0x7: {  	_ = 	snop  }
__scs_overlays_trampoline_lowered:
0x8: {  	[smem:$0x3FAB] =	sst s0  }
0x9: {  	[smem:$0x3FAC] =	sst s1  }
0xa: {  	[smem:$0x3FAD] =	sst s2  }
0xb: {  	[smem:$0x3FAE] =	sst s3  }
0xc: {  	[smem:$0x3FAF] =	sst s4  }
0xd: {  	[smem:$0x3FB0] =	sst s5  }
0xe: {  	[smem:$0x3FB1] =	sst s6  }
0xf: {  	[smem:$0x3FB2] =	sst s7  }
0x10: {  	[smem:$0x3FB3] =	sst s8  }
0x11: {  	[smem:$0x3FB4] =	sst s9;
	s0 =	simm.s32 @!p0 $0x0  }
0x12: {  	s1 =	sld [smem:$0x3F9A];
	s0 =	simm.s32 @p0 $0x1  }
0x13: {  	[smem:$0x3FB5] =	sst s0;
	s0 =	simm.s32 @!p1 $0x0  }
0x14: {  	s2 =	sld [smem:$0x3F99];
	s0 =	simm.s32 @p1 $0x1  }
0x15: {  	[smem:$0x3FB6] =	sst s0;
	s0 =	simm.s32 @!p2 $0x0  }
0x16: {  	s3 =	sld [smem:$0x3FDB];
	s0 =	simm.s32 @p2 $0x1  }
0x17: {  	s4 =	simm.s32 $0x1BF5;
	[smem:$0x3FB8] =	sst s0  }
0x18: {  	s0 =	sld [smem:$0x3F9B];
	_ =	swait.ge [sflag:s4], $0x0  }
0x19: {  	s7 =	sld [smem:$0x3F9C]  }
0x1a: {  	s8 =	sadd.s32 $0xFFFFE003, lr  }
0x1b: {  	s9 =	sadd.s32 $0xFFFFFEF7, lr;
	s5 =	simm.s32 $0xFFFFFFFF;
	p2 =	slt.u32 s8, $0xFFFFF086  }
0x1c: {  	p1 =	slt.u32 s9, $0xF7A;
	s5 =	simm.s32 @!p2 $0x0  }
0x1d: {  	s5 =	simm.s32 @p1 $0x1;
	p0 =	seq.s32 s7, s2  }
0x1e: {  	s7 =	smul.u32 @!p0 $0xF7A, s2;
	p2 =	seq.s32 @!p0 s5, $0x0  }
0x1f: {  	s9 =	smul.u32 $0xF7A, s1;
	s8 =	simm.s32 @!p0 $0x1BF5;
	p2 =	por !p2, p0  }
0x20: {  	[sflag:s8] =	ssyncset.s32 @!p0 $0xFFFFF086;
	s6 =	sadd.s32 @!p0 s3, s7;
	s7 =	simm.s32 @!p0 $0x108  }
0x21: {  	s3 =	sadd.s32 s3, s9;
	s6 =	sadd.s32 @!p0 $0x88, s6;
	s7 =	simm.s32 @p2 $0x1082  }
0x22: {  	[simem:s7], [sflag:s8] =	dma.local @!p0 [hbm:s6], $0xF7A  }
0x23: {  	s9 =	sor.u32 $0xD0000000, s2;
	s6 =	simm.s32 $0x108;
	_ =	swait.ge @!p0 [sflag:s8], $0x0  }
0x24: {  	s3 =	sadd.s32 $0x88, s3;
	s6 =	simm.s32 @!p1 $0x1082;
	[sflag:s4] =	ssyncset.s32 $0xFFFFF086  }
0x25: {  	[simem:s6], [sflag:s4] =	dma.local [hbm:s3], $0xF7A  }
0x26: {  	[smem:$0x3F9C] =	sst s1;
	(tag) =	ssettag s2;
	_ =	strace s9  }
0x27: {  	s1 =	sld [smem:$0x3FAC]  }
0x28: {  	s2 =	sld [smem:$0x3FAD]  }
0x29: {  	s4 =	sld [smem:$0x3FAF]  }
0x2a: {  	p0 =	seq.s32 s5, $0x0;
	s5 =	sld [smem:$0x3FB0]  }
0x2b: {  	s6 =	sld [smem:$0x3FB1]  }
0x2c: {  	s7 =	sld [smem:$0x3FB2]  }
0x2d: {  	s3 =	simm.s32 $0x108;
	s8 =	sld [smem:$0x3FB3]  }
0x2e: {  	s3 =	simm.s32 @!p0 $0x1082;
	s9 =	sld [smem:$0x3FB4]  }
0x2f: {  	lr =	sadd.s32 s0, s3;
	s0 =	sld [smem:$0x3FAB]  }
0x30: {  	s3 =	sld [smem:$0x3FAE]  }
0x31: {  	[smem:$0x3FB7] =	sst s10  }
0x32: {  	s10 =	sld [smem:$0x3FB5];
	_ =	sdelay $0x3  }
0x33: {  	p0 =	seq.s32 s10, $0x1;
	s10 =	sld [smem:$0x3FB7];
	_ =	sdelay $0x3  }
0x34: {  	[smem:$0x3FB7] =	sst s10  }
0x35: {  	s10 =	sld [smem:$0x3FB6];
	_ =	sdelay $0x3  }
0x36: {  	p1 =	seq.s32 s10, $0x1;
	s10 =	sld [smem:$0x3FB7];
	_ =	sdelay $0x3  }
0x37: {  	[smem:$0x3FB7] =	sst s10  }
0x38: {  	s10 =	sld [smem:$0x3FB8]  }
0x39: {  	_ = 	snop;
	(pc) =	sbr.ind lr, $3  }
0x3a: {  	_ = 	snop  }
0x3b: {  	_ = 	snop  }
0x3c: {  	p2 =	seq.s32 s10, $0x1;
	s10 =	sld [smem:$0x3FB7]  }
0x3d: {  	_ =	shalt  }
0x3e: {  	_ =	shalt  }
0x3f: {  	_ =	shalt  }
0x40: {  	_ =	shalt  }
0x41: {  	_ =	shalt  }
0x42: {  	_ =	shalt  }
0x43: {  	_ =	shalt  }
0x44: {  	_ =	shalt  }
0x45: {  	_ =	shalt  }
0x46: {  	_ =	shalt  }
0x47: {  	_ =	shalt  }
0x48: {  	_ =	shalt  }
0x49: {  	_ =	shalt  }
0x4a: {  	_ =	shalt  }
0x4b: {  	_ =	shalt  }
0x4c: {  	_ =	shalt  }
0x4d: {  	_ =	shalt  }
0x4e: {  	_ =	shalt  }
0x4f: {  	_ =	shalt  }
0x50: {  	_ =	shalt  }
0x51: {  	_ =	shalt  }
0x52: {  	_ =	shalt  }
0x53: {  	_ =	shalt  }
0x54: {  	_ =	shalt  }
0x55: {  	_ =	shalt  }
0x56: {  	_ =	shalt  }
0x57: {  	_ =	shalt  }
0x58: {  	_ =	shalt  }
0x59: {  	_ =	shalt  }
0x5a: {  	_ =	shalt  }
0x5b: {  	_ =	shalt  }
0x5c: {  	_ =	shalt  }
0x5d: {  	_ =	shalt  }
0x5e: {  	_ =	shalt  }
0x5f: {  	_ =	shalt  }
0x60: {  	_ =	shalt  }
0x61: {  	_ =	shalt  }
0x62: {  	_ =	shalt  }
0x63: {  	_ =	shalt  }
0x64: {  	_ =	shalt  }
0x65: {  	_ =	shalt  }
0x66: {  	_ =	shalt  }
0x67: {  	_ =	shalt  }
0x68: {  	_ =	shalt  }
0x69: {  	_ =	shalt  }
0x6a: {  	_ =	shalt  }
0x6b: {  	_ =	shalt  }
0x6c: {  	_ =	shalt  }
0x6d: {  	_ =	shalt  }
0x6e: {  	_ =	shalt  }
0x6f: {  	_ =	shalt  }
0x70: {  	_ =	shalt  }
0x71: {  	_ =	shalt  }
0x72: {  	_ =	shalt  }
0x73: {  	_ =	shalt  }
0x74: {  	_ =	shalt  }
0x75: {  	_ =	shalt  }
0x76: {  	_ =	shalt  }
0x77: {  	_ =	shalt  }
0x78: {  	_ =	shalt  }
0x79: {  	_ =	shalt  }
0x7a: {  	_ =	shalt  }
0x7b: {  	_ =	shalt  }
0x7c: {  	_ =	shalt  }
0x7d: {  	_ =	shalt  }
0x7e: {  	_ =	shalt  }
0x7f: {  	_ =	shalt  }
0x80: {  	_ =	shalt  }
0x81: {  	_ =	shalt  }
0x82: {  	_ =	shalt  }
0x83: {  	_ =	shalt  }
0x84: {  	_ =	shalt  }
0x85: {  	_ =	shalt  }
0x86: {  	_ =	shalt  }
0x87: {  	_ =	shalt  }
.Lfunc_end0:
.L_simem_size_0:
called_computation_lowered:
.L_overlay_start_0:
0x88: {  	s2 =	sld [smem:$0x3FD9]  }
0x89: {  	s3 =	sld [smem:$0x3FFE];
	_ =	sdelay $0x1  }
0x8a: {  	s1 =	srdreg.scid  }
0x8b: {  	s0 =	sand.u32 $0x1, s1  }
0x8c: {  	s17 =	sshll.u32 s0, $0xA;
	s2 =	sadd.s32 s3, s2  }
0x8d: {  	s2 =	sadd.s32 s2, s17  }
0x8e: {  	[smem:$0x3FC3] =	sst s2  }
0x8f: {  	_ = 	snop  }
0x90: {  	s2 =	sld [smem:$0x3FC9]  }
0x91: {  	s18 =	sld [smem:$0x3FD0];
	(tm) =	ssettm $0x1  }
0x92: {  	s4 =	sld [smem:$0x3FFB];
	_ =	sdelay $0x3  }
0x93: {  	_ =	strace s4  }
0x94: {  	s4 =	sld [smem:$0x3FFC];
	_ =	sdelay $0x3  }
0x95: {  	_ =	strace s4  }
0x96: {  	s4 =	sld [smem:$0x3FFD];
	_ =	sdelay $0x3  }
0x97: {  	_ =	strace s4  }
0x98: {  	_ =	strace $0x8FFFFFFF  }
0x99: {  	s19 =	sld [smem:$0x3FDB];
	_ =	sdelay $0x1  }
0x9a: {  	s5 =	simm.s32 $_scs_section_size  }
0x9b: {  	s6 =	simm.s32 $_size__tile_overlayer_lowered;
	s7 =	simm.s32 $_tile_overlayer_lowered  }
0x9c: {  	s22 =	simm.s32 $0x1BFF;
	s21 =	sshll.u32 s7, $0x1;
	s4 =	sadd.s32 s5, s19  }
0x9d: {  	s8 =	simm.s32 $0x0;
	s20 =	sshll.u32 s6, $0x1;
	s6 =	sadd.s32 s21, s4  }
0x9e: {  	[timem:s8], [sflag:s22] =	dma.local [hbm:s6], s20  }
0x9f: {  	_ =	swait.ge [sflag:s22], s20  }
0xa0: {  	s5 =	ssub.s32 $0x0, s20;
	[sflag:s22] =	ssyncset.done $0x0  }
0xa1: {  	[sflag:s22] =	ssyncadd.s32 s5;
	_ =	sdelay $0x1  }
0xa2: {  	s23 =	simm.s32 $0x1B8B  }
0xa3: {  	_ =	swait.ge [sflag:s23], $0x1  }
0xa4: {  	[sflag:s23] =	ssyncset.done $0x0  }
0xa5: {  	s25 =	simm.s32 $0x1B8E;
	s24 =	sld [smem:$0x3FFE];
	[sflag:s23] =	ssyncadd.s32 $0xFFFFFFFF  }
0xa6: {  	s26 =	simm.s32 $execute0_lowered;
	[smem:$0x3FD2] =	sst s25  }
0xa7: {  	s6 =	sshll.u32 s26, $0x1;
	_ =	strace $0x80000046;
	[dreg:$0x1] =	wrdreg $0xFFFFFFFF  }
0xa8: {  	s28 =	simm.s32 $_size_execute0_lowered;
	s4 =	sadd.s32 s4, s6;
	[dreg:$0x0] =	wrdreg $0x0  }
0xa9: {  	s6 =	sshll.u32 s28, $0x1;
	[dreg:$0x2] =	wrdreg s4  }
0xaa: {  	[dreg:$0x3] =	wrdreg s6  }
0xab: {  	[dreg:$0x4] =	wrdreg $0xC0  }
0xac: {  	_ =	task [dreg:s8], $0x5FFFF  }
0xad: {  	[dreg:$0x1] =	wrdreg $0xFFFFFFFF  }
0xae: {  	[dreg:$0x0] =	wrdreg $0x60  }
0xaf: {  	[dreg:$0x2] =	wrdreg s2  }
0xb0: {  	[dreg:$0x3] =	wrdreg s24  }
0xb1: {  	[dreg:$0x4] =	wrdreg s18  }
0xb2: {  	[dreg:$0x5] =	wrdreg $0x60400  }
0xb3: {  	[dreg:$0x6] =	wrdreg $0x19A400  }
0xb4: {  	[dreg:$0x7] =	wrdreg $0x1C1800  }
0xb5: {  	[dreg:$0x8] =	wrdreg $0x9  }
0xb6: {  	_ =	task.clear_ibuf [dreg:s8], $0x9FFFF;
	_ =	strace $0x90000046  }
0xb7: {  	s29 =	simm.s32 $0x9;
	_ =	strace $0x80000048  }
0xb8: {  	_ =	swait.ge [sflag:s29], $0x1  }
0xb9: {  	[sflag:s29] =	ssyncadd.s32 $0xFFFFFFFF  }
0xba: {  	_ =	strace $0x90000048  }
0xbb: {  	_ =	sfence  }
0xbc: {  	s30 =	sld [smem:$0x0];
	_ =	sdelay $0x2  }
0xbd: {  	s31 =	sshll.u32 s1, $0xD;
	s1 =	sshrl.u32 s1, $0x2  }
0xbe: {  	s3 =	sand.u32 $0x4000, s31;
	s1 =	sadd.s32 s1, s30  }
0xbf: {  	s0 =	sor.u32 s3, s0;
	s1 =	sshll.u32 s1, $0x11  }
0xc0: {  	s0 =	sor.u32 s1, s0  }
0xc1: {  	s0 =	sadd.s32 $0x8F2B, s0  }
0xc2: {  	[sflag:s0] =	ssyncadd.remote.s32 $0x1  }
0xc3: {  	_ =	sfence.sel $0xFFFF  }
0xc4: {  	[dreg:$0x0] =	wrdreg $0xFFFFFFFF;
	(pc) =	sbr.abs _section_cstart, $3  }
0xc5: {  	[dreg:$0x1] =	wrdreg $0xFFFFFFFF  }
0xc6: {  	_ =	task.clear_ibuf [dreg:s8], $0x2FFFF;
	_ =	strace $0x9FFFFFFF  }
0xc7: {  	(tm) =	ssettm $0x7FFFFFFF  }
tec
execute0_lowered:
.L_overlay_start_1:
0x0: {  	(tag) =	ssettag $0x1  }
0x1: {  	s0 =	rddreg [dreg:$0x0]  }
0x2: {  	s3 =	rddreg [dreg:$0x1]  }
0x3: {  	s8 =	rddreg [dreg:$0x2]  }
0x4: {  	s2 =	rddreg [dreg:$0x3]  }
0x5: {  	s1 =	srdreg.scid;
	s19 =	stileid.u32  }
0x6: {  	s4 =	rddreg [dreg:$0x4];
	s10 =	smul.u32 $0x13A00, s19  }
0x7: {  	s5 =	rddreg [dreg:$0x5];
	s11 =	smul.u32 $0x2740, s19  }
0x8: {  	s6 =	simm.s32 $0x0;
	s28 =	simm.s32 $0xA0;
	s26 =	smul.u32 $0x4E800, s19  }
0x9: {  	s29 =	simm.s32 $0x3;
	s9 =	sand.u32 $0x1, s1;
	s20 =	smul.u32 $0x2710, s19  }
0xa: {  	s30 =	simm.s32 $0x50;
	s31 =	simm.s32 $0xF0;
	s1 =	smul.u32 $0x13A000, s9  }
0xb: {  	[smem:$0x7FF] =	sst s6;
	s7 =	sadd.s32 $0x1A00, s3;
	s12 =	smul.u32 $0x27400, s9  }
0xc: {  	_ =	strace $0x80000047;
	s22 =	sshll.u32 s9, $0x4;
	s14 =	ssub.s32 $0x2, s9  }
0xd: {  	s16 =	sshrl.u32 s14, $0x1;
	s1 =	sadd.s32 s10, s1;
	s12 =	sadd.s32 s11, s12  }
0xe: {  	s18 =	ssub.s32 s14, s16;
	s10 =	sadd.s32 s10, s2;
	s13 =	sshrl.u32 s1, $0x3  }
0xf: {  	s12 =	sshrl.u32 s12, $0x3;
	s1 =	smul.u32 $0x274, s19;
	s21 =	smax.u32 s18, $0x1  }
0x10: {  	s13 =	sadd.s32 s13, s3;
	s3 =	sadd.s32 s12, s3;
	s12 =	sor.u32 s19, s22  }
0x11: {  	[dreg:$0xd] =	wrdreg s21;
	s22 =	sshrl.u32 s26, $0x2;
	s15 =	sadd.s32 $0x230, s1  }
0x12: {  	s12 =	smul.u32 $0x2710, s12;
	s25 =	sadd.s32 $0x1A600, s13;
	s16 =	sadd.s32 $0x6A00, s3  }
0x13: {  	s3 =	sadd.s32 $0x10800, s3;
	s26 =	sadd.s32 $0x50, s1;
	[dreg:$0xa] =	wrdreg s25  }
0x14: {  	s18 =	sadd.s32 $0xA0, s1;
	s17 =	sshll.u32 s15, $0x7;
	[dreg:$0xb] =	wrdreg s16  }
0x15: {  	s24 =	sshll.u32 s15, $0x4;
	[dreg:$0xc] =	wrdreg s3;
	s16 =	sadd.s32 s11, s5  }
0x16: {  	s13 =	sshll.u32 s26, $0x4;
	s23 =	sadd.s32 s17, s2;
	s15 =	sadd.s32 s24, s4  }
0x17: {  	s14 =	sadd.s32 s24, s5;
	s17 =	smul.u32 $0x27100, s9;
	[dreg:$0x7] =	wrdreg s23  }
0x18: {  	s12 =	sshrl.u32 s12, $0x3;
	s9 =	smul.u32 $0x4E20, s9;
	[dreg:$0x8] =	wrdreg s15  }
0x19: {  	[dreg:$0x9] =	wrdreg s14;
	s15 =	sadd.s32 s8, s12;
	s14 =	sadd.s32 s11, s4  }
0x1a: {  	s23 =	smul.u32 $0x4E2, s19;
	s11 =	sadd.s32 s22, s2;
	s12 =	sshll.u32 s26, $0x7  }
0x1b: {  	s22 =	sshll.u32 s18, $0x7;
	s3 =	sadd.s32 s20, s17;
	[dreg:$0xe] =	wrdreg s11  }
0x1c: {  	s9 =	sadd.s32 s9, s8;
	s17 =	sadd.s32 s13, s4;
	s24 =	sadd.s32 $0x4E2F0, s3  }
0x1d: {  	s19 =	sadd.s32 s23, s9;
	s3 =	sadd.s32 $0x4E2A0, s3;
	[dreg:$0x10] =	wrdreg s17  }
0x1e: {  	s9 =	sadd.s32 $0x140, s1;
	s25 =	sshrl.u32 s24, $0x3;
	s3 =	sshrl.u32 s3, $0x3  }
0x1f: {  	s24 =	sadd.s32 $0xF0, s1;
	s11 =	sshll.u32 s9, $0x7;
	s20 =	sadd.s32 s25, s8  }
0x20: {  	s21 =	sadd.s32 s3, s8;
	s3 =	sadd.s32 s12, s2;
	s8 =	sadd.s32 s13, s5  }
0x21: {  	s25 =	sshll.u32 s24, $0x7;
	s13 =	sadd.s32 $0x190, s1;
	[dreg:$0xf] =	wrdreg s3  }
0x22: {  	[dreg:$0x11] =	wrdreg s8;
	s3 =	sshll.u32 s18, $0x4;
	s8 =	sadd.s32 s22, s2  }
0x23: {  	s1 =	sadd.s32 $0x1E0, s1;
	[dreg:$0x12] =	wrdreg s8;
	s23 =	sadd.s32 s3, s4  }
0x24: {  	s17 =	sshll.u32 s13, $0x7;
	s3 =	sadd.s32 s3, s5;
	[dreg:$0x13] =	wrdreg s23  }
0x25: {  	s8 =	sshll.u32 s24, $0x4;
	[dreg:$0x14] =	wrdreg s3;
	s3 =	sadd.s32 s25, s2  }
0x26: {  	s26 =	sadd.s32 s8, s4;
	s8 =	sadd.s32 s8, s5;
	[dreg:$0x15] =	wrdreg s3  }
0x27: {  	s23 =	sshll.u32 s1, $0x7;
	s1 =	sshll.u32 s1, $0x4;
	[dreg:$0x16] =	wrdreg s26  }
0x28: {  	s25 =	sshrl.u32 s10, $0x3;
	s10 =	simm.s32 $0x5B40;
	[dreg:$0x17] =	wrdreg s8  }
0x29: {  	s3 =	sshll.u32 s9, $0x4;
	s8 =	sadd.s32 s11, s2;
	s24 =	sadd.s32 s1, s4  }
0x2a: {  	s1 =	sadd.s32 s1, s5;
	[smem:$0x7FC] =	sst s25;
	s26 =	sadd.s32 $0x9C40, s15  }
0x2b: {  	s11 =	simm.s32 $0x140;
	s25 =	simm.s32 $0x5;
	[dreg:$0x18] =	wrdreg s8  }
0x2c: {  	s9 =	simm.s32 $0x5640;
	s12 =	sadd.s32 s3, s4;
	[dreg:$0x1f] =	wrdreg s24  }
0x2d: {  	s3 =	sadd.s32 s3, s5;
	s8 =	sshll.u32 s13, $0x4;
	[smem:$0x7FB] =	sst s1  }
0x2e: {  	[smem:$0x7FD] =	sst s26;
	s24 =	sadd.s32 $0x9C4A, s15;
	s26 =	simm.s32 $0x5140  }
0x2f: {  	s1 =	simm.s32 $0x4;
	s13 =	simm.s32 $0x0;
	[dreg:$0x19] =	wrdreg s12  }
.Ltmp0:
0x30: {  	[dreg:$0x1a] =	wrdreg s3;
	s3 =	sadd.s32 s17, s2;
	(pc) =	sbr.rel .LBB2_1-.Ltmp0, $4  }
0x31: {  	s18 =	sadd.s32 s8, s4;
	s22 =	sadd.s32 s8, s5;
	[dreg:$0x1b] =	wrdreg s3  }
0x32: {  	s8 =	simm.s32 $0x2940;
	s12 =	simm.s32 $0x2;
	[dreg:$0x1c] =	wrdreg s18  }
0x33: {  	v0 =	vimm.f32 $0.0e+00;
	vm0 =	vcmask $0xF0C;
	[dreg:$0x1d] =	wrdreg s22;
	s3 =	sadd.s32 s23, s2;
	s23 =	sadd.s32 $0xA, s15  }
0x34: {  	v1 =	vsel vm0, $0x3F800000, v0;
	s22 =	smov.u32 s15;
	[dreg:$0x1e] =	wrdreg s3;
	s3 =	simm.s32 $0x1  }
.LBB2_6:
0x35: {  	_ =	swait.ge [sflag:s3], $0x2800  }
0x36: {  	[sflag:s3] =	ssyncset.done $0x0  }
0x37: {  	[sflag:s3] =	ssyncadd.s32 $0xFFFFD800  }
0x38: {  	_ =	swait.ge [sflag:s3], $0x500  }
0x39: {  	[sflag:s3] =	ssyncset.done $0x0  }
0x3a: {  	[sflag:s3] =	ssyncadd.s32 $0xFFFFFB00  }
0x3b: {  	[spmem:s2] =	stream.indirect.scatter.add.f32 [tilespmem:s11], [sflag:$0x5], $0x80, s28, s30, $0xb8;
	[tilespmem:$0x1E8C0] =	vst v63  }
0x3c: {  	_ =	swait.ge [sflag:s25], $0x2800  }
0x3d: {  	[sflag:s25] =	ssyncset.done $0x0  }
0x3e: {  	[sflag:s25] =	ssyncadd.s32 $0xFFFFD800  }
0x3f: {  	[spmem:s4] =	stream.indirect.scatter.add.f32 [tilespmem:s26], [sflag:$0x5], $0x10, s6, s30, $0xb8;
	[tilespmem:$0x1E8C0] =	vst v63  }
0x40: {  	_ =	swait.ge [sflag:s25], $0x500  }
0x41: {  	[sflag:s25] =	ssyncset.done $0x0  }
0x42: {  	[sflag:s25] =	ssyncadd.s32 $0xFFFFFB00  }
0x43: {  	[spmem:s5] =	stream.indirect.scatter.add.f32 [tilespmem:s10], [sflag:$0x5], $0x10, s28, s30, $0xb8;
	[tilespmem:$0x1E8C0] =	vst v63  }
0x44: {  	_ =	swait.ge [sflag:s25], $0x500  }
0x45: {  	[sflag:s25] =	ssyncset.done $0x0  }
0x46: {  	[sflag:s25] =	ssyncadd.s32 $0xFFFFFB00  }
0x47: {  	[bflag:$0x0] =	sbarrier.arrive $0xFFFF  }
0x48: {  	s15 =	stileid.u32;
	s18 =	sld [smem:$0x7FC]  }
0x49: {  	s15 =	sshll.u32 s15, $0x6  }
0x4a: {  	s15 =	sor.u32 $0x1C05, s15;
	s17 =	rddreg [dreg:$0xa]  }
0x4b: {  	[hbm:s17], [sflag:s15] =	dma.local [spmem:s18], $0x2740  }
0x4c: {  	_ =	swait.ge [sflag:s25], $0x2740  }
0x4d: {  	[sflag:s25] =	ssyncset.done $0x0  }
0x4e: {  	s17 =	sshrl.u32 s14, $0x3;
	s18 =	rddreg [dreg:$0xb];
	[sflag:s25] =	ssyncadd.s32 $0xFFFFD8C0  }
0x4f: {  	[hbm:s18], [sflag:s15] =	dma.local [spmem:s17], $0x4E8  }
0x50: {  	_ =	swait.ge [sflag:s25], $0x4E8  }
0x51: {  	[sflag:s25] =	ssyncset.done $0x0  }
0x52: {  	s17 =	sshrl.u32 s16, $0x3;
	s18 =	rddreg [dreg:$0xc];
	[sflag:s25] =	ssyncadd.s32 $0xFFFFFB18  }
0x53: {  	[hbm:s18], [sflag:s15] =	dma.local [spmem:s17], $0x4E8  }
0x54: {  	_ =	swait.ge [sflag:s25], $0x4E8  }
0x55: {  	s13 =	sadd.s32 $0x1, s13;
	s18 =	rddreg [dreg:$0xd]  }
0x56: {  	p0 =	sne.s32 s13, s18  }
.Ltmp1:
0x57: {  	_ = 	snop;
	(pc) =	sbr.rel @!p0 .LBB2_7-.Ltmp1, $3  }
0x58: {  	_ =	sdelay $0x1  }
0x59: {  	[sflag:s25] =	ssyncset.done $0x0  }
0x5a: {  	[sflag:s25] =	ssyncadd.s32 $0xFFFFFB18  }
.LBB2_1:
0x5b: {  	s15 =	simm.s32 $0x180  }
0x5c: {  	[tilespmem:s15+$0x20] =	vst v0  }
0x5d: {  	[tilespmem:s15+$0x10] =	vst v0  }
0x5e: {  	[tilespmem:s15+$0x0] =	vst v0  }
0x5f: {  	[tilespmem:s15+$0xFFFFFFF0] =	vst v0  }
0x60: {  	[tilespmem:s15+$0xFFFFFFE0] =	vst v0  }
0x61: {  	[tilespmem:s15+$0xFFFFFFD0] =	vst v0  }
0x62: {  	[tilespmem:s15+$0xFFFFFFC0] =	vst v0  }
0x63: {  	s18 =	simm.s32 $0x0;
	s17 =	simm.s32 $0x40;
	[tilespmem:s15+$0x30] =	vst v0  }
.LBB2_2:
0x64: {  	p0 =	sne.s32 s17, $0x13C0;
	[tilespmem:s18+$0x5B40] =	vst v1  }
0x65: {  	s15 =	sadd.s32 $0x80, s15;
	[tilespmem:s18+$0x5140] =	vst v0  }
0x66: {  	[tilespmem:s15+$0x20] =	vst v0  }
0x67: {  	[tilespmem:s15+$0x10] =	vst v0  }
0x68: {  	[tilespmem:s15+$0x0] =	vst v0  }
.Ltmp2:
0x69: {  	[tilespmem:s15+$0xFFFFFFF0] =	vst v0;
	(pc) =	sbr.rel @p0 .LBB2_2-.Ltmp2, $4  }
0x6a: {  	[tilespmem:s15+$0xFFFFFFE0] =	vst v0  }
0x6b: {  	[tilespmem:s15+$0xFFFFFFD0] =	vst v0  }
0x6c: {  	[tilespmem:s15+$0xFFFFFFC0] =	vst v0  }
0x6d: {  	s18 =	sshra.s32 s17, $0x2;
	s17 =	sadd.s32 $0x40, s17;
	[tilespmem:s15+$0x30] =	vst v0  }
0x6e: {  	[tilespmem:s18+$0x5B40] =	vst v1  }
0x6f: {  	[tilespmem:s18+$0x5140] =	vst v0;
	s15 =	rddreg [dreg:$0xe]  }
0x70: {  	[spmem:s15] =	stream.linear.scatter [tilespmem:s11], [sflag:$0x5], $0x2800, $0x38;
	[tilespmem:$0x1E8C0] =	vst v63  }
0x71: {  	_ =	swait.ge [sflag:s25], $0x2800  }
0x72: {  	[sflag:s25] =	ssyncset.done $0x0  }
0x73: {  	[sflag:s25] =	ssyncadd.s32 $0xFFFFD800  }
0x74: {  	[spmem:s14] =	stream.linear.scatter [tilespmem:s26], [sflag:$0x5], $0x500, $0x38;
	[tilespmem:$0x1E8C0] =	vst v63  }
0x75: {  	_ =	swait.ge [sflag:s25], $0x500  }
0x76: {  	[sflag:s25] =	ssyncset.done $0x0  }
0x77: {  	[sflag:s25] =	ssyncadd.s32 $0xFFFFFB00  }
0x78: {  	[spmem:s16] =	stream.linear.scatter [tilespmem:s26], [sflag:$0x5], $0x500, $0x38;
	[tilespmem:$0x1E8C0] =	vst v63  }
0x79: {  	_ =	swait.ge [sflag:s25], $0x500  }
0x7a: {  	[sflag:s25] =	ssyncset.done $0x0  }
0x7b: {  	s18 =	rddreg [dreg:$0xf];
	[sflag:s25] =	ssyncadd.s32 $0xFFFFFB00  }
0x7c: {  	[spmem:s18] =	stream.linear.scatter [tilespmem:s11], [sflag:$0x5], $0x2800, $0x38;
	[tilespmem:$0x1E8C0] =	vst v63  }
0x7d: {  	_ =	swait.ge [sflag:s25], $0x2800  }
0x7e: {  	[sflag:s25] =	ssyncset.done $0x0  }
0x7f: {  	s17 =	rddreg [dreg:$0x10];
	[sflag:s25] =	ssyncadd.s32 $0xFFFFD800  }
0x80: {  	[spmem:s17] =	stream.linear.scatter [tilespmem:s26], [sflag:$0x5], $0x500, $0x38;
	[tilespmem:$0x1E8C0] =	vst v63  }
0x81: {  	_ =	swait.ge [sflag:s25], $0x500  }
0x82: {  	[sflag:s25] =	ssyncset.done $0x0  }
0x83: {  	s18 =	rddreg [dreg:$0x11];
	[sflag:s25] =	ssyncadd.s32 $0xFFFFFB00  }
0x84: {  	[spmem:s18] =	stream.linear.scatter [tilespmem:s26], [sflag:$0x5], $0x500, $0x38;
	[tilespmem:$0x1E8C0] =	vst v63  }
0x85: {  	_ =	swait.ge [sflag:s25], $0x500  }
0x86: {  	[sflag:s25] =	ssyncset.done $0x0  }
0x87: {  	s17 =	rddreg [dreg:$0x12];
	[sflag:s25] =	ssyncadd.s32 $0xFFFFFB00  }
0x88: {  	[spmem:s17] =	stream.linear.scatter [tilespmem:s11], [sflag:$0x5], $0x2800, $0x38;
	[tilespmem:$0x1E8C0] =	vst v63  }
0x89: {  	_ =	swait.ge [sflag:s25], $0x2800  }
0x8a: {  	[sflag:s25] =	ssyncset.done $0x0  }
0x8b: {  	s18 =	rddreg [dreg:$0x13];
	[sflag:s25] =	ssyncadd.s32 $0xFFFFD800  }
0x8c: {  	[spmem:s18] =	stream.linear.scatter [tilespmem:s26], [sflag:$0x5], $0x500, $0x38;
	[tilespmem:$0x1E8C0] =	vst v63  }
0x8d: {  	_ =	swait.ge [sflag:s25], $0x500  }
0x8e: {  	[sflag:s25] =	ssyncset.done $0x0  }
0x8f: {  	s17 =	rddreg [dreg:$0x14];
	[sflag:s25] =	ssyncadd.s32 $0xFFFFFB00  }
0x90: {  	[spmem:s17] =	stream.linear.scatter [tilespmem:s26], [sflag:$0x5], $0x500, $0x38;
	[tilespmem:$0x1E8C0] =	vst v63  }
0x91: {  	_ =	swait.ge [sflag:s25], $0x500  }
0x92: {  	[sflag:s25] =	ssyncset.done $0x0  }
0x93: {  	s18 =	rddreg [dreg:$0x15];
	[sflag:s25] =	ssyncadd.s32 $0xFFFFFB00  }
0x94: {  	[spmem:s18] =	stream.linear.scatter [tilespmem:s11], [sflag:$0x5], $0x2800, $0x38;
	[tilespmem:$0x1E8C0] =	vst v63  }
0x95: {  	_ =	swait.ge [sflag:s25], $0x2800  }
0x96: {  	[sflag:s25] =	ssyncset.done $0x0  }
0x97: {  	s17 =	rddreg [dreg:$0x16];
	[sflag:s25] =	ssyncadd.s32 $0xFFFFD800  }
0x98: {  	[spmem:s17] =	stream.linear.scatter [tilespmem:s26], [sflag:$0x5], $0x500, $0x38;
	[tilespmem:$0x1E8C0] =	vst v63  }
0x99: {  	_ =	swait.ge [sflag:s25], $0x500  }
0x9a: {  	[sflag:s25] =	ssyncset.done $0x0  }
0x9b: {  	s18 =	rddreg [dreg:$0x17];
	[sflag:s25] =	ssyncadd.s32 $0xFFFFFB00  }
0x9c: {  	[spmem:s18] =	stream.linear.scatter [tilespmem:s26], [sflag:$0x5], $0x500, $0x38;
	[tilespmem:$0x1E8C0] =	vst v63  }
0x9d: {  	_ =	swait.ge [sflag:s25], $0x500  }
0x9e: {  	[sflag:s25] =	ssyncset.done $0x0  }
0x9f: {  	s17 =	rddreg [dreg:$0x18];
	[sflag:s25] =	ssyncadd.s32 $0xFFFFFB00  }
0xa0: {  	[spmem:s17] =	stream.linear.scatter [tilespmem:s11], [sflag:$0x5], $0x2800, $0x38;
	[tilespmem:$0x1E8C0] =	vst v63  }
0xa1: {  	_ =	swait.ge [sflag:s25], $0x2800  }
0xa2: {  	[sflag:s25] =	ssyncset.done $0x0  }
0xa3: {  	s18 =	rddreg [dreg:$0x19];
	[sflag:s25] =	ssyncadd.s32 $0xFFFFD800  }
0xa4: {  	[spmem:s18] =	stream.linear.scatter [tilespmem:s26], [sflag:$0x5], $0x500, $0x38;
	[tilespmem:$0x1E8C0] =	vst v63  }
0xa5: {  	_ =	swait.ge [sflag:s25], $0x500  }
0xa6: {  	[sflag:s25] =	ssyncset.done $0x0  }
0xa7: {  	s17 =	rddreg [dreg:$0x1a];
	[sflag:s25] =	ssyncadd.s32 $0xFFFFFB00  }
0xa8: {  	[spmem:s17] =	stream.linear.scatter [tilespmem:s26], [sflag:$0x5], $0x500, $0x38;
	[tilespmem:$0x1E8C0] =	vst v63  }
0xa9: {  	_ =	swait.ge [sflag:s25], $0x500  }
0xaa: {  	[sflag:s25] =	ssyncset.done $0x0  }
0xab: {  	s18 =	rddreg [dreg:$0x1b];
	[sflag:s25] =	ssyncadd.s32 $0xFFFFFB00  }
0xac: {  	[spmem:s18] =	stream.linear.scatter [tilespmem:s11], [sflag:$0x5], $0x2800, $0x38;
	[tilespmem:$0x1E8C0] =	vst v63  }
0xad: {  	_ =	swait.ge [sflag:s25], $0x2800  }
0xae: {  	[sflag:s25] =	ssyncset.done $0x0  }
0xaf: {  	s17 =	rddreg [dreg:$0x1c];
	[sflag:s25] =	ssyncadd.s32 $0xFFFFD800  }
0xb0: {  	[spmem:s17] =	stream.linear.scatter [tilespmem:s26], [sflag:$0x5], $0x500, $0x38;
	[tilespmem:$0x1E8C0] =	vst v63  }
0xb1: {  	_ =	swait.ge [sflag:s25], $0x500  }
0xb2: {  	[sflag:s25] =	ssyncset.done $0x0  }
0xb3: {  	s18 =	rddreg [dreg:$0x1d];
	[sflag:s25] =	ssyncadd.s32 $0xFFFFFB00  }
0xb4: {  	[spmem:s18] =	stream.linear.scatter [tilespmem:s26], [sflag:$0x5], $0x500, $0x38;
	[tilespmem:$0x1E8C0] =	vst v63  }
0xb5: {  	_ =	swait.ge [sflag:s25], $0x500  }
0xb6: {  	[sflag:s25] =	ssyncset.done $0x0  }
0xb7: {  	s17 =	rddreg [dreg:$0x1e];
	[sflag:s25] =	ssyncadd.s32 $0xFFFFFB00  }
0xb8: {  	[spmem:s17] =	stream.linear.scatter [tilespmem:s11], [sflag:$0x5], $0x2800, $0x38;
	[tilespmem:$0x1E8C0] =	vst v63  }
0xb9: {  	_ =	swait.ge [sflag:s25], $0x2800  }
0xba: {  	[sflag:s25] =	ssyncset.done $0x0  }
0xbb: {  	s18 =	rddreg [dreg:$0x1f];
	[sflag:s25] =	ssyncadd.s32 $0xFFFFD800  }
0xbc: {  	[spmem:s18] =	stream.linear.scatter [tilespmem:s26], [sflag:$0x5], $0x500, $0x38;
	[tilespmem:$0x1E8C0] =	vst v63  }
0xbd: {  	_ =	swait.ge [sflag:s25], $0x500  }
0xbe: {  	s17 =	sld [smem:$0x7FB]  }
0xbf: {  	[sflag:s25] =	ssyncset.done $0x0  }
0xc0: {  	[sflag:s25] =	ssyncadd.s32 $0xFFFFFB00  }
0xc1: {  	[spmem:s17] =	stream.linear.scatter [tilespmem:s26], [sflag:$0x5], $0x500, $0x38;
	[tilespmem:$0x1E8C0] =	vst v63  }
0xc2: {  	_ =	swait.ge [sflag:s25], $0x500  }
0xc3: {  	[sflag:s25] =	ssyncset.done $0x0  }
0xc4: {  	s18 =	rddreg [dreg:$0x7];
	[sflag:s25] =	ssyncadd.s32 $0xFFFFFB00  }
0xc5: {  	[spmem:s18] =	stream.linear.scatter [tilespmem:s11], [sflag:$0x5], $0x2200, $0x38;
	[tilespmem:$0x1E8C0] =	vst v63  }
0xc6: {  	_ =	swait.ge [sflag:s25], $0x2200  }
0xc7: {  	[sflag:s25] =	ssyncset.done $0x0  }
0xc8: {  	s17 =	rddreg [dreg:$0x8];
	[sflag:s25] =	ssyncadd.s32 $0xFFFFDE00  }
0xc9: {  	[spmem:s17] =	stream.linear.scatter [tilespmem:s26], [sflag:$0x5], $0x440, $0x38;
	[tilespmem:$0x1E8C0] =	vst v63  }
0xca: {  	_ =	swait.ge [sflag:s25], $0x440  }
0xcb: {  	[sflag:s25] =	ssyncset.done $0x0  }
0xcc: {  	s18 =	rddreg [dreg:$0x9];
	[sflag:s25] =	ssyncadd.s32 $0xFFFFFBC0  }
0xcd: {  	[spmem:s18] =	stream.linear.scatter [tilespmem:s26], [sflag:$0x5], $0x440, $0x38;
	[tilespmem:$0x1E8C0] =	vst v63  }
0xce: {  	_ =	swait.ge [sflag:s25], $0x440  }
0xcf: {  	[sflag:s25] =	ssyncset.done $0x0  }
0xd0: {  	[sflag:s25] =	ssyncadd.s32 $0xFFFFFBC0  }
0xd1: {  	[bflag:$0x0] =	sbarrier.arrive $0xFFFF  }
0xd2: {  	s15 =	simm.s32 $0x0;
	s17 =	sld [smem:$0x7FD]  }
0xd3: {  	[tilespmem:s15], [sflag:$0x3] =	stream.linear.gather [hbm4b:s22+s15], $0x50, $0x38;
	[tilespmem:$0x1E8C0] =	vst v63  }
0xd4: {  	_ = 	snop  }
0xd5: {  	[tilespmem:s28], [sflag:$0x3] =	stream.linear.gather [hbm4b:s17+s15], $0x50, $0x38;
	[tilespmem:$0x1E8C0] =	vst v63  }
0xd6: {  	_ =	swait.ge [sflag:s29], $0x50  }
0xd7: {  	[sflag:s29] =	ssyncset.done $0x0  }
0xd8: {  	[sflag:s29] =	ssyncadd.s32 $0xFFFFFFB0  }
0xd9: {  	_ =	swait.ge [sflag:s29], $0x50  }
0xda: {  	[sflag:s29] =	ssyncset.done $0x0  }
0xdb: {  	[sflag:s29] =	ssyncadd.s32 $0xFFFFFFB0  }
0xdc: {  	[tilespmem:s30], [sflag:$0x4] =	stream.linear.gather [hbm4b:s23+s15], $0x50, $0x38;
	[tilespmem:$0x1E8C0] =	vst v63  }
0xdd: {  	_ = 	snop  }
0xde: {  	[tilespmem:s31], [sflag:$0x4] =	stream.linear.gather [hbm4b:s24+s15], $0x50, $0x38;
	[tilespmem:$0x1E8C0] =	vst v63  }
0xdf: {  	_ = 	snop  }
0xe0: {  	[tilespmem:s11], [sflag:$0x1] =	stream.indirect.gather [hbm4b:s0+s30], $0x80, s15, s30, $0xb8;
	[tilespmem:$0x1E8C0] =	vst v63  }
0xe1: {  	_ = 	snop  }
0xe2: {  	[tilespmem:s26], [sflag:$0x1] =	stream.indirect.gather [hbm4b:s7+s30], $0x10, s28, s30, $0xb8;
	[tilespmem:$0x1E8C0] =	vst v63  }
.LBB2_4:
0xe3: {  	_ =	swait.ge [sflag:s3], $0x2800  }
0xe4: {  	[sflag:s3] =	ssyncset.done $0x0  }
0xe5: {  	[sflag:s3] =	ssyncadd.s32 $0xFFFFD800  }
0xe6: {  	_ =	swait.ge [sflag:s3], $0x500  }
0xe7: {  	[sflag:s3] =	ssyncset.done $0x0  }
0xe8: {  	[sflag:s3] =	ssyncadd.s32 $0xFFFFFB00  }
0xe9: {  	_ =	swait.ge [sflag:s1], $0x50  }
0xea: {  	[sflag:s1] =	ssyncset.done $0x0  }
0xeb: {  	[sflag:s1] =	ssyncadd.s32 $0xFFFFFFB0  }
0xec: {  	_ =	swait.ge [sflag:s1], $0x50  }
0xed: {  	[sflag:s1] =	ssyncset.done $0x0  }
0xee: {  	[sflag:s1] =	ssyncadd.s32 $0xFFFFFFB0  }
0xef: {  	[tilespmem:s8], [sflag:$0x2] =	stream.indirect.gather [hbm4b:s0+s30], $0x80, s30, s30, $0xb8;
	[tilespmem:$0x1E8C0] =	vst v63  }
0xf0: {  	_ = 	snop  }
0xf1: {  	[tilespmem:s9], [sflag:$0x2] =	stream.indirect.gather [hbm4b:s7+s30], $0x10, s31, s30, $0xb8;
	[tilespmem:$0x1E8C0] =	vst v63  }
0xf2: {  	_ = 	snop  }
0xf3: {  	[spmem:s2] =	stream.indirect.scatter.add.f32 [tilespmem:s11], [sflag:$0x5], $0x80, s28, s30, $0xb8;
	[tilespmem:$0x1E8C0] =	vst v63  }
0xf4: {  	_ =	swait.ge [sflag:s25], $0x2800  }
0xf5: {  	[sflag:s25] =	ssyncset.done $0x0  }
0xf6: {  	[sflag:s25] =	ssyncadd.s32 $0xFFFFD800  }
0xf7: {  	[spmem:s4] =	stream.indirect.scatter.add.f32 [tilespmem:s26], [sflag:$0x5], $0x10, s6, s30, $0xb8;
	[tilespmem:$0x1E8C0] =	vst v63  }
0xf8: {  	_ =	swait.ge [sflag:s25], $0x500  }
0xf9: {  	[sflag:s25] =	ssyncset.done $0x0  }
0xfa: {  	[sflag:s25] =	ssyncadd.s32 $0xFFFFFB00  }
0xfb: {  	[spmem:s5] =	stream.indirect.scatter.add.f32 [tilespmem:s10], [sflag:$0x5], $0x10, s28, s30, $0xb8;
	[tilespmem:$0x1E8C0] =	vst v63  }
0xfc: {  	_ =	swait.ge [sflag:s25], $0x500  }
0xfd: {  	s17 =	sadd.s32 s15, s19;
	[sflag:s25] =	ssyncset.done $0x0  }
0xfe: {  	s18 =	sadd.s32 $0x14, s17;
	[sflag:s25] =	ssyncadd.s32 $0xFFFFFB00  }
0xff: {  	[tilespmem:s6], [sflag:$0x3] =	stream.linear.gather [hbm4b:s18+s6], $0x50, $0x38;
	[tilespmem:$0x1E8C0] =	vst v63  }
0x100: {  	s18 =	sadd.s32 s15, s21  }
0x101: {  	[tilespmem:s28], [sflag:$0x3] =	stream.linear.gather [hbm4b:s18+s6], $0x50, $0x38;
	[tilespmem:$0x1E8C0] =	vst v63  }
0x102: {  	_ =	swait.ge [sflag:s12], $0x2800  }
0x103: {  	[sflag:s12] =	ssyncset.done $0x0  }
0x104: {  	[sflag:s12] =	ssyncadd.s32 $0xFFFFD800  }
0x105: {  	_ =	swait.ge [sflag:s12], $0x500  }
0x106: {  	[sflag:s12] =	ssyncset.done $0x0  }
0x107: {  	[sflag:s12] =	ssyncadd.s32 $0xFFFFFB00  }
0x108: {  	_ =	swait.ge [sflag:s29], $0x50  }
0x109: {  	[sflag:s29] =	ssyncset.done $0x0  }
0x10a: {  	[sflag:s29] =	ssyncadd.s32 $0xFFFFFFB0  }
0x10b: {  	_ =	swait.ge [sflag:s29], $0x50  }
0x10c: {  	[sflag:s29] =	ssyncset.done $0x0  }
0x10d: {  	[sflag:s29] =	ssyncadd.s32 $0xFFFFFFB0  }
0x10e: {  	[tilespmem:s11], [sflag:$0x1] =	stream.indirect.gather [hbm4b:s0+s30], $0x80, s6, s30, $0xb8;
	[tilespmem:$0x1E8C0] =	vst v63  }
0x10f: {  	_ = 	snop  }
0x110: {  	[tilespmem:s26], [sflag:$0x1] =	stream.indirect.gather [hbm4b:s7+s30], $0x10, s28, s30, $0xb8;
	[tilespmem:$0x1E8C0] =	vst v63  }
0x111: {  	_ = 	snop  }
0x112: {  	[spmem:s2] =	stream.indirect.scatter.add.f32 [tilespmem:s8], [sflag:$0x5], $0x80, s31, s30, $0xb8;
	[tilespmem:$0x1E8C0] =	vst v63  }
0x113: {  	_ =	swait.ge [sflag:s25], $0x2800  }
0x114: {  	[sflag:s25] =	ssyncset.done $0x0  }
0x115: {  	[sflag:s25] =	ssyncadd.s32 $0xFFFFD800  }
0x116: {  	[spmem:s4] =	stream.indirect.scatter.add.f32 [tilespmem:s9], [sflag:$0x5], $0x10, s30, s30, $0xb8;
	[tilespmem:$0x1E8C0] =	vst v63  }
0x117: {  	_ =	swait.ge [sflag:s25], $0x500  }
0x118: {  	p0 =	seq.s32 s15, $0x4C4;
	[sflag:s25] =	ssyncset.done $0x0  }
.Ltmp3:
0x119: {  	[sflag:s25] =	ssyncadd.s32 $0xFFFFFB00;
	(pc) =	sbr.rel @p0 .LBB2_6-.Ltmp3, $4  }
0x11a: {  	[spmem:s5] =	stream.indirect.scatter.add.f32 [tilespmem:s10], [sflag:$0x5], $0x10, s31, s30, $0xb8;
	[tilespmem:$0x1E8C0] =	vst v63  }
0x11b: {  	_ =	swait.ge [sflag:s25], $0x500  }
0x11c: {  	[sflag:s25] =	ssyncset.done $0x0  }
0x11d: {  	[sflag:s25] =	ssyncadd.s32 $0xFFFFFB00  }
.Ltmp4:
0x11e: {  	(pc) =	sbr.rel .LBB2_4-.Ltmp4, $4  }
0x11f: {  	s17 =	sadd.s32 $0x1E, s17  }
0x120: {  	[tilespmem:s30], [sflag:$0x4] =	stream.linear.gather [hbm4b:s17+s6], $0x50, $0x38;
	[tilespmem:$0x1E8C0] =	vst v63  }
0x121: {  	s18 =	sadd.s32 s15, s20;
	s15 =	sadd.s32 $0x14, s15  }
0x122: {  	[tilespmem:s31], [sflag:$0x4] =	stream.linear.gather [hbm4b:s18+s6], $0x50, $0x38;
	[tilespmem:$0x1E8C0] =	vst v63  }
.LBB2_7:
0x123: {  	_ =	sfence.sel $0x180000  }
0x124: {  	[bflag:$0x0] =	sbarrier.arrive $0xFFFF  }
0x125: {  	_ =	strace $0x90000047  }
0x126: {  	s0 =	stileid.u32;
	[bflag:$0x2] =	sbarrier.arrive $0xFFFF  }
0x127: {  	p0 =	sne.s32 s0, $0x0;
	s0 =	rddreg [dreg:$0x6]  }
0x128: {  	s0 =	sadd.s32 @!p0 $0x100000, s0  }
0x129: {  	[sflag:s0] =	ssyncadd.tile.s32 @!p0 $0x1;
	_ =	shalt  }
.Lfunc_end2:
_tile_overlayer_lowered:
.L_overlay_start_2:
0x12a: {  	(tag) =	ssettag $0x2  }
0x12b: {  	s0 =	rddreg [dreg:$0x0];
	s2 =	stileid.u32  }
0x12c: {  	s1 =	rddreg [dreg:$0x1];
	p0 =	sne.s32 s2, $0x0  }
0x12d: {  	s3 =	rddreg [dreg:$0x2];
	[bflag:$0x3] =	sbarrier.arrive $0xFFFF;
	s2 =	simm.s32 @!p0 $0x1C05  }
0x12e: {  	[timem:s3], [sflag:s2] =	dma.local @!p0 [hbm:s0], s1  }
0x12f: {  	s0 =	simm.s32 @!p0 $0x5  }
0x130: {  	_ =	swait.ge @!p0 [sflag:s0], s1  }
0x131: {  	s1 =	ssub.s32 @!p0 $0x0, s1;
	[sflag:s0] =	ssyncset.done @!p0 $0x0  }
0x132: {  	[sflag:s0] =	ssyncadd.s32 @!p0 s1  }
0x133: {  	[bflag:$0x3] =	sbarrier.arrive $0xFFFF  }
0x134: {  	_ =	shalt  }

</sc_bundles>
